<compile_context>
chip_gen: v7x
topology: tpu7x:2x2x1
jax: 0.10.2.dev20260603
libtpu: 0.0.44.dev20260713+nightly
codegen_flags: <defaults>
</compile_context>

<pallas_src>
import functools

import jax
import jax.numpy as jnp
import numpy as np
from jax import lax
from jax.experimental import pallas as pl
from jax.experimental.pallas import tpu as pltpu
from jax.experimental.pallas import tpu_sc as plsc

EMB_SIZE = 1000000
D = 64
B = 16384
K = 20
L = 16

NC = 2
NS = 16
NW = NC * NS
BW = B // NW
CB = 32
NCHUNK = BW // CB
TRG_CHUNK = CB * K
NGATHER = TRG_CHUNK // 128
TROWS = BW * K // 128

_mesh = plsc.VectorSubcoreMesh(core_axis_name="c", subcore_axis_name="s")


@functools.partial(
    pl.kernel,
    out_type=jax.ShapeDtypeStruct((B * K, L), jnp.float32),
    mesh=_mesh,
    compiler_params=pltpu.CompilerParams(use_tc_tiling_on_sc=False),
    scratch_types=[
        pltpu.VMEM((NCHUNK, CB), jnp.int32),
        pltpu.VMEM((TROWS, 128), jnp.int32),
        pltpu.VMEM((2, CB, D), jnp.float32),
        pltpu.VMEM((2, TRG_CHUNK, D), jnp.float32),
        pltpu.VMEM((2, TRG_CHUNK, L), jnp.float32),
        pltpu.SemaphoreType.DMA((2,)),
        pltpu.SemaphoreType.DMA((2,)),
    ],
)
def _sc_pred(src_idx_hbm, trg_idx_hbm, u_hbm, v_hbm, part_hbm,
             idx_src_v, idx_trg_v, src_buf, trg_buf, part_buf, gsem, wsem):
    c = lax.axis_index("c")
    s = lax.axis_index("s")
    w = s * NC + c
    pltpu.sync_copy(src_idx_hbm.at[w], idx_src_v)
    pltpu.sync_copy(trg_idx_hbm.at[w], idx_trg_v)

    def issue_gathers(ch, slot):
        pltpu.async_copy(u_hbm.at[idx_src_v.at[ch]], src_buf.at[slot],
                         gsem.at[slot])
        for j in range(NGATHER):
            pltpu.async_copy(
                v_hbm.at[idx_trg_v.at[ch * NGATHER + j]],
                trg_buf.at[slot].at[pl.ds(j * 128, 128)], gsem.at[slot])

    issue_gathers(0, 0)

    def chunk_body(ch, carry):
        slot = lax.rem(ch, 2)

        @pl.when(ch + 1 < NCHUNK)
        def _():
            issue_gathers(ch + 1, 1 - slot)

        pltpu.make_async_copy(u_hbm.at[pl.ds(0, CB)], src_buf.at[slot],
                              gsem.at[slot]).wait()
        pltpu.make_async_copy(v_hbm.at[pl.ds(0, TRG_CHUNK)],
                              trg_buf.at[slot], gsem.at[slot]).wait()

        base = w * (BW * K) + ch * TRG_CHUNK

        @pl.when(ch >= 2)
        def _():
            pltpu.make_async_copy(part_buf.at[slot],
                                  part_hbm.at[pl.ds(base, TRG_CHUNK)],
                                  wsem.at[slot]).wait()

        sbuf = src_buf.at[slot]
        tbuf = trg_buf.at[slot]
        pbuf = part_buf.at[slot]

        def i_body(i, carry2):
            sv = [sbuf[i, pl.ds(q * L, L)] for q in range(D // L)]
            row0 = i * K
            for k in range(K):
                row = row0 + k
                acc = tbuf[row, pl.ds(0, L)] * sv[0]
                for q in range(1, D // L):
                    acc = acc + tbuf[row, pl.ds(q * L, L)] * sv[q]
                pbuf[row, :] = acc
            return carry2

        lax.fori_loop(0, CB, i_body, 0)

        pltpu.async_copy(pbuf, part_hbm.at[pl.ds(base, TRG_CHUNK)],
                         wsem.at[slot])
        return carry

    lax.fori_loop(0, NCHUNK, chunk_body, 0)

    for slot in range(2):
        pltpu.make_async_copy(part_buf.at[slot],
                              part_hbm.at[pl.ds(0, TRG_CHUNK)],
                              wsem.at[slot]).wait()


_TC_BB = 2048


def _tc_body(p_ref, m_ref, w_ref, y_ref, o_ref):
    @pl.when(pl.program_id(0) == 0)
    def _():
        o_ref[0, 0] = 0.0

    pred = jnp.dot(p_ref[...], m_ref[...],
                   preferred_element_type=jnp.float32)
    w = w_ref[...]
    y = y_ref[...]
    bce = jnp.maximum(pred, 0.0) - pred * y + jnp.log1p(jnp.exp(-jnp.abs(pred)))
    num = jnp.sum(w * bce, axis=1)
    den = jnp.sum(w, axis=1)
    o_ref[0, 0] += jnp.sum(num / den) * (1.0 / B)


def _tc_loss(partials, wmasks, labels):
    m = jnp.asarray(np.kron(np.eye(K, dtype=np.float32),
                            np.ones((L, 1), np.float32)))
    out = pl.pallas_call(
        _tc_body,
        grid=(B // _TC_BB,),
        in_specs=[
            pl.BlockSpec((_TC_BB, K * L), lambda i: (i, 0)),
            pl.BlockSpec((K * L, K), lambda i: (0, 0)),
            pl.BlockSpec((_TC_BB, K), lambda i: (i, 0)),
            pl.BlockSpec((_TC_BB, K), lambda i: (i, 0)),
        ],
        out_specs=pl.BlockSpec(memory_space=pltpu.SMEM),
        out_shape=jax.ShapeDtypeStruct((1, 1), jnp.float32),
    )(partials, m, wmasks, labels)
    return out[0, 0]


def kernel(src_words, trg_words, wmasks, labels, u_emb, v_emb):
    src_idx = src_words.astype(jnp.int32).reshape(NW, NCHUNK, CB)
    trg_idx = trg_words.astype(jnp.int32).reshape(NW, TROWS, 128)
    partials = _sc_pred(src_idx, trg_idx, u_emb, v_emb).reshape(B, K * L)
    return _tc_loss(partials, wmasks, labels)

# --- scband reference (transcript-rebuilt; emitter-appended) ---
"""Pipeline reference for scband-sg-ns-module-90237262889749 (READ-ONLY COPY).

The authoritative reference and input builder live on the scoring server;
editing this copy changes nothing except your own understanding.
"""

import jax, jax.numpy as jnp
import numpy as np

EMB_SIZE = 1000000
EMB_DIMS = 64
B = 16384
K = 20


def setup_inputs(seed: int = 0) -> dict:
    key = jax.random.key(seed)
    k1, k2, k3, k4, k5, k6 = jax.random.split(key, 6)
    src_words = jax.random.randint(k1, (B,), 0, EMB_SIZE, dtype=jnp.int64 if jax.config.jax_enable_x64 else jnp.int32)
    trg_words = jax.random.randint(k2, (B, K), 0, EMB_SIZE, dtype=jnp.int64 if jax.config.jax_enable_x64 else jnp.int32)
    wmasks = jax.random.uniform(k3, (B, K), dtype=jnp.float32)
    labels = jax.random.uniform(k4, (B, K), dtype=jnp.float32)
    u_emb = jax.random.normal(k5, (EMB_SIZE, EMB_DIMS), dtype=jnp.float32)
    v_emb = jax.random.normal(k6, (EMB_SIZE, EMB_DIMS), dtype=jnp.float32)
    return {"src_words": src_words, "trg_words": trg_words, "wmasks": wmasks, "labels": labels, "u_emb": u_emb, "v_emb": v_emb}


def reference(src_words, trg_words, wmasks, labels, u_emb, v_emb):
    # embedding lookups (SparseCore gather)
    src_e = jnp.take(u_emb, src_words, axis=0)            # [B, D]
    trg_e = jnp.take(v_emb, trg_words, axis=0)            # [B, K, D]
    # pred = bmm(src_e.unsqueeze(1), trg_e.transpose(1,2)).squeeze(1)
    pred = jnp.einsum('bd,bkd->bk', src_e, trg_e)          # [B, K]
    # binary_cross_entropy_with_logits, reduction='none', weight=wmasks
    # numerically stable: max(x,0) - x*y + log(1+exp(-|x|))
    bce = jnp.maximum(pred, 0.0) - pred * labels + jnp.log1p(jnp.exp(-jnp.abs(pred)))
    loss = wmasks * bce                                    # [B, K]
    loss = (loss.mean(axis=1) * wmasks.shape[1] / wmasks.sum(axis=1)).mean()
    return loss

if __name__ == "__main__":
    import jax
    _d = setup_inputs()
    print(jax.jit(kernel)(*tuple(_d.values())))

</pallas_src>

<mosaic_0001>
#map = affine_map<(d0, d1) -> (0, 0, 0)>
#map1 = affine_map<(d0, d1) -> (0, 0)>
module attributes {stable_mosaic.version = 14 : i64} {
  func.func @_sc_pred(%arg0: i32, %arg1: i32, %arg2: memref<32x16x32xi32, #tpu.memory_space<hbm>>, %arg3: memref<32x80x128xi32, #tpu.memory_space<hbm>>, %arg4: memref<1000000x64xf32, #tpu.memory_space<hbm>>, %arg5: memref<1000000x64xf32, #tpu.memory_space<hbm>>, %arg6: memref<327680x16xf32, #tpu.memory_space<hbm>>, %arg7: memref<16x32xi32, #tpu.memory_space<vmem>>, %arg8: memref<80x128xi32, #tpu.memory_space<vmem>>, %arg9: memref<2x32x64xf32, #tpu.memory_space<vmem>>, %arg10: memref<2x640x64xf32, #tpu.memory_space<vmem>>, %arg11: memref<2x640x16xf32, #tpu.memory_space<vmem>>, %arg12: memref<2x!tpu.dma_semaphore, #tpu.memory_space<semaphore_mem>>, %arg13: memref<2x!tpu.dma_semaphore, #tpu.memory_space<semaphore_mem>>) attributes {dimension_semantics = [#tpu.dimension_semantics<core_parallel>, #tpu.dimension_semantics<subcore_parallel>], iteration_bounds = array<i64: 2, 16>, scalar_prefetch = 0 : i64, scratch_operands = 7 : i64, tpu.core_type = #tpu.core_type<sc_vector_subcore>, window_params = [{transform_indices = #map}, {transform_indices = #map}, {transform_indices = #map1}, {transform_indices = #map1}, {transform_indices = #map1}]} {
    %mul3A = arith.constant 2 : i32
    %mul3A_0 = arith.muli %arg1, %mul3A : i32
    %add3A = arith.addi %mul3A_0, %arg0 : i32
    "tpu.region"() ({
      %run_scoped3A = tpu.sem_alloc : memref<!tpu.dma_semaphore, #tpu.memory_space<semaphore_mem>>
      %dma_start3A_145 = arith.constant 0 : i32
      %dma_start3A_146 = arith.constant 0 : i32
      %dma_start3A_147 = tpu.memref_slice %arg2[%add3A, %dma_start3A_145, %dma_start3A_146] : memref<32x16x32xi32, #tpu.memory_space<hbm>> -> memref<1x16x32xi32, #tpu.memory_space<hbm>>
      %dma_start3A_148 = tpu.memref_squeeze %dma_start3A_147 : memref<1x16x32xi32, #tpu.memory_space<hbm>> -> memref<16x32xi32, #tpu.memory_space<hbm>>
      %dma_start3A_149 = arith.constant 0 : i32
      %dma_start3A_150 = arith.constant 0 : i32
      %dma_start3A_151 = tpu.memref_slice %arg2[%add3A, %dma_start3A_149, %dma_start3A_150] : memref<32x16x32xi32, #tpu.memory_space<hbm>> -> memref<1x16x32xi32, #tpu.memory_space<hbm>>
      %dma_start3A_152 = tpu.memref_squeeze %dma_start3A_151 : memref<1x16x32xi32, #tpu.memory_space<hbm>> -> memref<16x32xi32, #tpu.memory_space<hbm>>
      tpu.enqueue_dma source(%dma_start3A_152 : memref<16x32xi32, #tpu.memory_space<hbm>>) target(%arg7 : memref<16x32xi32, #tpu.memory_space<vmem>>) target_semaphore(%run_scoped3A : memref<!tpu.dma_semaphore, #tpu.memory_space<semaphore_mem>>)
      %dma_wait3A_153 = arith.constant 0 : i32
      %dma_wait3A_154 = arith.constant 0 : i32
      %dma_wait3A_155 = tpu.memref_slice %arg2[%add3A, %dma_wait3A_153, %dma_wait3A_154] : memref<32x16x32xi32, #tpu.memory_space<hbm>> -> memref<1x16x32xi32, #tpu.memory_space<hbm>>
      %dma_wait3A_156 = tpu.memref_squeeze %dma_wait3A_155 : memref<1x16x32xi32, #tpu.memory_space<hbm>> -> memref<16x32xi32, #tpu.memory_space<hbm>>
      %dma_wait3A_157 = arith.constant 0 : i32
      %dma_wait3A_158 = arith.constant 0 : i32
      %dma_wait3A_159 = tpu.memref_slice %arg2[%add3A, %dma_wait3A_157, %dma_wait3A_158] : memref<32x16x32xi32, #tpu.memory_space<hbm>> -> memref<1x16x32xi32, #tpu.memory_space<hbm>>
      %dma_wait3A_160 = tpu.memref_squeeze %dma_wait3A_159 : memref<1x16x32xi32, #tpu.memory_space<hbm>> -> memref<16x32xi32, #tpu.memory_space<hbm>>
      tpu.wait_dma2 semaphore(%run_scoped3A : memref<!tpu.dma_semaphore, #tpu.memory_space<semaphore_mem>>) src(%dma_wait3A_160 : memref<16x32xi32, #tpu.memory_space<hbm>>) dst(%arg7 : memref<16x32xi32, #tpu.memory_space<vmem>>)
      tpu.yield
    }) : () -> ()
    "tpu.region"() ({
      %run_scoped3A = tpu.sem_alloc : memref<!tpu.dma_semaphore, #tpu.memory_space<semaphore_mem>>
      %dma_start3A_145 = arith.constant 0 : i32
      %dma_start3A_146 = arith.constant 0 : i32
      %dma_start3A_147 = tpu.memref_slice %arg3[%add3A, %dma_start3A_145, %dma_start3A_146] : memref<32x80x128xi32, #tpu.memory_space<hbm>> -> memref<1x80x128xi32, #tpu.memory_space<hbm>>
      %dma_start3A_148 = tpu.memref_squeeze %dma_start3A_147 : memref<1x80x128xi32, #tpu.memory_space<hbm>> -> memref<80x128xi32, #tpu.memory_space<hbm>>
      %dma_start3A_149 = arith.constant 0 : i32
      %dma_start3A_150 = arith.constant 0 : i32
      %dma_start3A_151 = tpu.memref_slice %arg3[%add3A, %dma_start3A_149, %dma_start3A_150] : memref<32x80x128xi32, #tpu.memory_space<hbm>> -> memref<1x80x128xi32, #tpu.memory_space<hbm>>
      %dma_start3A_152 = tpu.memref_squeeze %dma_start3A_151 : memref<1x80x128xi32, #tpu.memory_space<hbm>> -> memref<80x128xi32, #tpu.memory_space<hbm>>
      tpu.enqueue_dma source(%dma_start3A_152 : memref<80x128xi32, #tpu.memory_space<hbm>>) target(%arg8 : memref<80x128xi32, #tpu.memory_space<vmem>>) target_semaphore(%run_scoped3A : memref<!tpu.dma_semaphore, #tpu.memory_space<semaphore_mem>>)
      %dma_wait3A_153 = arith.constant 0 : i32
      %dma_wait3A_154 = arith.constant 0 : i32
      %dma_wait3A_155 = tpu.memref_slice %arg3[%add3A, %dma_wait3A_153, %dma_wait3A_154] : memref<32x80x128xi32, #tpu.memory_space<hbm>> -> memref<1x80x128xi32, #tpu.memory_space<hbm>>
      %dma_wait3A_156 = tpu.memref_squeeze %dma_wait3A_155 : memref<1x80x128xi32, #tpu.memory_space<hbm>> -> memref<80x128xi32, #tpu.memory_space<hbm>>
      %dma_wait3A_157 = arith.constant 0 : i32
      %dma_wait3A_158 = arith.constant 0 : i32
      %dma_wait3A_159 = tpu.memref_slice %arg3[%add3A, %dma_wait3A_157, %dma_wait3A_158] : memref<32x80x128xi32, #tpu.memory_space<hbm>> -> memref<1x80x128xi32, #tpu.memory_space<hbm>>
      %dma_wait3A_160 = tpu.memref_squeeze %dma_wait3A_159 : memref<1x80x128xi32, #tpu.memory_space<hbm>> -> memref<80x128xi32, #tpu.memory_space<hbm>>
      tpu.wait_dma2 semaphore(%run_scoped3A : memref<!tpu.dma_semaphore, #tpu.memory_space<semaphore_mem>>) src(%dma_wait3A_160 : memref<80x128xi32, #tpu.memory_space<hbm>>) dst(%arg8 : memref<80x128xi32, #tpu.memory_space<vmem>>)
      tpu.yield
    }) : () -> ()
    %dma_start3A = arith.constant 0 : i32
    %dma_start3A_1 = arith.constant 0 : i32
    %dma_start3A_2 = arith.constant 0 : i32
    %dma_start3A_3 = arith.constant 0 : i32
    %dma_start3A_4 = arith.constant 0 : i32
    %dma_start3A_5 = tpu.memref_slice %arg9[%dma_start3A_1, %dma_start3A_3, %dma_start3A_4] : memref<2x32x64xf32, #tpu.memory_space<vmem>> -> memref<1x32x64xf32, #tpu.memory_space<vmem>>
    %dma_start3A_6 = tpu.memref_squeeze %dma_start3A_5 : memref<1x32x64xf32, #tpu.memory_space<vmem>> -> memref<32x64xf32, #tpu.memory_space<vmem>>
    %dma_start3A_7 = arith.constant 0 : i32
    %dma_start3A_8 = tpu.memref_slice %arg7[%dma_start3A, %dma_start3A_7] : memref<16x32xi32, #tpu.memory_space<vmem>> -> memref<1x32xi32, #tpu.memory_space<vmem>>
    %dma_start3A_9 = tpu.memref_squeeze %dma_start3A_8 : memref<1x32xi32, #tpu.memory_space<vmem>> -> memref<32xi32, #tpu.memory_space<vmem>>
    %dma_start3A_10 = arith.constant 0 : i32
    %dma_start3A_11 = arith.constant 0 : i32
    %dma_start3A_12 = tpu.memref_slice %arg4[%dma_start3A_10, %dma_start3A_11] : memref<1000000x64xf32, #tpu.memory_space<hbm>> -> memref<1000000x64xf32, #tpu.memory_space<hbm>>
    %dma_start3A_13 = tpu.memref_slice %arg12[%dma_start3A_2] : memref<2x!tpu.dma_semaphore, #tpu.memory_space<semaphore_mem>> -> memref<1x!tpu.dma_semaphore, #tpu.memory_space<semaphore_mem>>
    %dma_start3A_14 = tpu.memref_squeeze %dma_start3A_13 : memref<1x!tpu.dma_semaphore, #tpu.memory_space<semaphore_mem>> -> memref<!tpu.dma_semaphore, #tpu.memory_space<semaphore_mem>>
    tpu.enqueue_indirect_dma source(%dma_start3A_12 : memref<1000000x64xf32, #tpu.memory_space<hbm>>) target(%dma_start3A_6 : memref<32x64xf32, #tpu.memory_space<vmem>>) offsets(%dma_start3A_9 : memref<32xi32, #tpu.memory_space<vmem>>) semaphore(%dma_start3A_14 : memref<!tpu.dma_semaphore, #tpu.memory_space<semaphore_mem>>)
    %dma_start3A_15 = arith.constant 0 : i32
    %dma_start3A_16 = arith.constant 0 : i32
    %dma_start3A_17 = arith.constant 0 : i32
    %dma_start3A_18 = arith.constant 0 : i32
    %dma_start3A_19 = arith.constant 0 : i32
    %dma_start3A_20 = tpu.memref_slice %arg10[%dma_start3A_16, %dma_start3A_18, %dma_start3A_19] : memref<2x640x64xf32, #tpu.memory_space<vmem>> -> memref<1x640x64xf32, #tpu.memory_space<vmem>>
    %dma_start3A_21 = tpu.memref_squeeze %dma_start3A_20 : memref<1x640x64xf32, #tpu.memory_space<vmem>> -> memref<640x64xf32, #tpu.memory_space<vmem>>
    %dma_start3A_22 = arith.constant 0 : i32
    %dma_start3A_23 = arith.constant 0 : i32
    %dma_start3A_24 = tpu.memref_slice %dma_start3A_21[%dma_start3A_22, %dma_start3A_23] : memref<640x64xf32, #tpu.memory_space<vmem>> -> memref<128x64xf32, #tpu.memory_space<vmem>>
    %dma_start3A_25 = arith.constant 0 : i32
    %dma_start3A_26 = tpu.memref_slice %arg8[%dma_start3A_15, %dma_start3A_25] : memref<80x128xi32, #tpu.memory_space<vmem>> -> memref<1x128xi32, #tpu.memory_space<vmem>>
    %dma_start3A_27 = tpu.memref_squeeze %dma_start3A_26 : memref<1x128xi32, #tpu.memory_space<vmem>> -> memref<128xi32, #tpu.memory_space<vmem>>
    %dma_start3A_28 = arith.constant 0 : i32
    %dma_start3A_29 = arith.constant 0 : i32
    %dma_start3A_30 = tpu.memref_slice %arg5[%dma_start3A_28, %dma_start3A_29] : memref<1000000x64xf32, #tpu.memory_space<hbm>> -> memref<1000000x64xf32, #tpu.memory_space<hbm>>
    %dma_start3A_31 = tpu.memref_slice %arg12[%dma_start3A_17] : memref<2x!tpu.dma_semaphore, #tpu.memory_space<semaphore_mem>> -> memref<1x!tpu.dma_semaphore, #tpu.memory_space<semaphore_mem>>
    %dma_start3A_32 = tpu.memref_squeeze %dma_start3A_31 : memref<1x!tpu.dma_semaphore, #tpu.memory_space<semaphore_mem>> -> memref<!tpu.dma_semaphore, #tpu.memory_space<semaphore_mem>>
    tpu.enqueue_indirect_dma source(%dma_start3A_30 : memref<1000000x64xf32, #tpu.memory_space<hbm>>) target(%dma_start3A_24 : memref<128x64xf32, #tpu.memory_space<vmem>>) offsets(%dma_start3A_27 : memref<128xi32, #tpu.memory_space<vmem>>) semaphore(%dma_start3A_32 : memref<!tpu.dma_semaphore, #tpu.memory_space<semaphore_mem>>)
    %dma_start3A_33 = arith.constant 1 : i32
    %dma_start3A_34 = arith.constant 0 : i32
    %dma_start3A_35 = arith.constant 0 : i32
    %dma_start3A_36 = arith.constant 0 : i32
    %dma_start3A_37 = arith.constant 0 : i32
    %dma_start3A_38 = tpu.memref_slice %arg10[%dma_start3A_34, %dma_start3A_36, %dma_start3A_37] : memref<2x640x64xf32, #tpu.memory_space<vmem>> -> memref<1x640x64xf32, #tpu.memory_space<vmem>>
    %dma_start3A_39 = tpu.memref_squeeze %dma_start3A_38 : memref<1x640x64xf32, #tpu.memory_space<vmem>> -> memref<640x64xf32, #tpu.memory_space<vmem>>
    %dma_start3A_40 = arith.constant 128 : i32
    %dma_start3A_41 = arith.constant 0 : i32
    %dma_start3A_42 = tpu.memref_slice %dma_start3A_39[%dma_start3A_40, %dma_start3A_41] : memref<640x64xf32, #tpu.memory_space<vmem>> -> memref<128x64xf32, #tpu.memory_space<vmem>>
    %dma_start3A_43 = arith.constant 0 : i32
    %dma_start3A_44 = tpu.memref_slice %arg8[%dma_start3A_33, %dma_start3A_43] : memref<80x128xi32, #tpu.memory_space<vmem>> -> memref<1x128xi32, #tpu.memory_space<vmem>>
    %dma_start3A_45 = tpu.memref_squeeze %dma_start3A_44 : memref<1x128xi32, #tpu.memory_space<vmem>> -> memref<128xi32, #tpu.memory_space<vmem>>
    %dma_start3A_46 = arith.constant 0 : i32
    %dma_start3A_47 = arith.constant 0 : i32
    %dma_start3A_48 = tpu.memref_slice %arg5[%dma_start3A_46, %dma_start3A_47] : memref<1000000x64xf32, #tpu.memory_space<hbm>> -> memref<1000000x64xf32, #tpu.memory_space<hbm>>
    %dma_start3A_49 = tpu.memref_slice %arg12[%dma_start3A_35] : memref<2x!tpu.dma_semaphore, #tpu.memory_space<semaphore_mem>> -> memref<1x!tpu.dma_semaphore, #tpu.memory_space<semaphore_mem>>
    %dma_start3A_50 = tpu.memref_squeeze %dma_start3A_49 : memref<1x!tpu.dma_semaphore, #tpu.memory_space<semaphore_mem>> -> memref<!tpu.dma_semaphore, #tpu.memory_space<semaphore_mem>>
    tpu.enqueue_indirect_dma source(%dma_start3A_48 : memref<1000000x64xf32, #tpu.memory_space<hbm>>) target(%dma_start3A_42 : memref<128x64xf32, #tpu.memory_space<vmem>>) offsets(%dma_start3A_45 : memref<128xi32, #tpu.memory_space<vmem>>) semaphore(%dma_start3A_50 : memref<!tpu.dma_semaphore, #tpu.memory_space<semaphore_mem>>)
    %dma_start3A_51 = arith.constant 2 : i32
    %dma_start3A_52 = arith.constant 0 : i32
    %dma_start3A_53 = arith.constant 0 : i32
    %dma_start3A_54 = arith.constant 0 : i32
    %dma_start3A_55 = arith.constant 0 : i32
    %dma_start3A_56 = tpu.memref_slice %arg10[%dma_start3A_52, %dma_start3A_54, %dma_start3A_55] : memref<2x640x64xf32, #tpu.memory_space<vmem>> -> memref<1x640x64xf32, #tpu.memory_space<vmem>>
    %dma_start3A_57 = tpu.memref_squeeze %dma_start3A_56 : memref<1x640x64xf32, #tpu.memory_space<vmem>> -> memref<640x64xf32, #tpu.memory_space<vmem>>
    %dma_start3A_58 = arith.constant 256 : i32
    %dma_start3A_59 = arith.constant 0 : i32
    %dma_start3A_60 = tpu.memref_slice %dma_start3A_57[%dma_start3A_58, %dma_start3A_59] : memref<640x64xf32, #tpu.memory_space<vmem>> -> memref<128x64xf32, #tpu.memory_space<vmem>>
    %dma_start3A_61 = arith.constant 0 : i32
    %dma_start3A_62 = tpu.memref_slice %arg8[%dma_start3A_51, %dma_start3A_61] : memref<80x128xi32, #tpu.memory_space<vmem>> -> memref<1x128xi32, #tpu.memory_space<vmem>>
    %dma_start3A_63 = tpu.memref_squeeze %dma_start3A_62 : memref<1x128xi32, #tpu.memory_space<vmem>> -> memref<128xi32, #tpu.memory_space<vmem>>
    %dma_start3A_64 = arith.constant 0 : i32
    %dma_start3A_65 = arith.constant 0 : i32
    %dma_start3A_66 = tpu.memref_slice %arg5[%dma_start3A_64, %dma_start3A_65] : memref<1000000x64xf32, #tpu.memory_space<hbm>> -> memref<1000000x64xf32, #tpu.memory_space<hbm>>
    %dma_start3A_67 = tpu.memref_slice %arg12[%dma_start3A_53] : memref<2x!tpu.dma_semaphore, #tpu.memory_space<semaphore_mem>> -> memref<1x!tpu.dma_semaphore, #tpu.memory_space<semaphore_mem>>
    %dma_start3A_68 = tpu.memref_squeeze %dma_start3A_67 : memref<1x!tpu.dma_semaphore, #tpu.memory_space<semaphore_mem>> -> memref<!tpu.dma_semaphore, #tpu.memory_space<semaphore_mem>>
    tpu.enqueue_indirect_dma source(%dma_start3A_66 : memref<1000000x64xf32, #tpu.memory_space<hbm>>) target(%dma_start3A_60 : memref<128x64xf32, #tpu.memory_space<vmem>>) offsets(%dma_start3A_63 : memref<128xi32, #tpu.memory_space<vmem>>) semaphore(%dma_start3A_68 : memref<!tpu.dma_semaphore, #tpu.memory_space<semaphore_mem>>)
    %dma_start3A_69 = arith.constant 3 : i32
    %dma_start3A_70 = arith.constant 0 : i32
    %dma_start3A_71 = arith.constant 0 : i32
    %dma_start3A_72 = arith.constant 0 : i32
    %dma_start3A_73 = arith.constant 0 : i32
    %dma_start3A_74 = tpu.memref_slice %arg10[%dma_start3A_70, %dma_start3A_72, %dma_start3A_73] : memref<2x640x64xf32, #tpu.memory_space<vmem>> -> memref<1x640x64xf32, #tpu.memory_space<vmem>>
    %dma_start3A_75 = tpu.memref_squeeze %dma_start3A_74 : memref<1x640x64xf32, #tpu.memory_space<vmem>> -> memref<640x64xf32, #tpu.memory_space<vmem>>
    %dma_start3A_76 = arith.constant 384 : i32
    %dma_start3A_77 = arith.constant 0 : i32
    %dma_start3A_78 = tpu.memref_slice %dma_start3A_75[%dma_start3A_76, %dma_start3A_77] : memref<640x64xf32, #tpu.memory_space<vmem>> -> memref<128x64xf32, #tpu.memory_space<vmem>>
    %dma_start3A_79 = arith.constant 0 : i32
    %dma_start3A_80 = tpu.memref_slice %arg8[%dma_start3A_69, %dma_start3A_79] : memref<80x128xi32, #tpu.memory_space<vmem>> -> memref<1x128xi32, #tpu.memory_space<vmem>>
    %dma_start3A_81 = tpu.memref_squeeze %dma_start3A_80 : memref<1x128xi32, #tpu.memory_space<vmem>> -> memref<128xi32, #tpu.memory_space<vmem>>
    %dma_start3A_82 = arith.constant 0 : i32
    %dma_start3A_83 = arith.constant 0 : i32
    %dma_start3A_84 = tpu.memref_slice %arg5[%dma_start3A_82, %dma_start3A_83] : memref<1000000x64xf32, #tpu.memory_space<hbm>> -> memref<1000000x64xf32, #tpu.memory_space<hbm>>
    %dma_start3A_85 = tpu.memref_slice %arg12[%dma_start3A_71] : memref<2x!tpu.dma_semaphore, #tpu.memory_space<semaphore_mem>> -> memref<1x!tpu.dma_semaphore, #tpu.memory_space<semaphore_mem>>
    %dma_start3A_86 = tpu.memref_squeeze %dma_start3A_85 : memref<1x!tpu.dma_semaphore, #tpu.memory_space<semaphore_mem>> -> memref<!tpu.dma_semaphore, #tpu.memory_space<semaphore_mem>>
    tpu.enqueue_indirect_dma source(%dma_start3A_84 : memref<1000000x64xf32, #tpu.memory_space<hbm>>) target(%dma_start3A_78 : memref<128x64xf32, #tpu.memory_space<vmem>>) offsets(%dma_start3A_81 : memref<128xi32, #tpu.memory_space<vmem>>) semaphore(%dma_start3A_86 : memref<!tpu.dma_semaphore, #tpu.memory_space<semaphore_mem>>)
    %dma_start3A_87 = arith.constant 4 : i32
    %dma_start3A_88 = arith.constant 0 : i32
    %dma_start3A_89 = arith.constant 0 : i32
    %dma_start3A_90 = arith.constant 0 : i32
    %dma_start3A_91 = arith.constant 0 : i32
    %dma_start3A_92 = tpu.memref_slice %arg10[%dma_start3A_88, %dma_start3A_90, %dma_start3A_91] : memref<2x640x64xf32, #tpu.memory_space<vmem>> -> memref<1x640x64xf32, #tpu.memory_space<vmem>>
    %dma_start3A_93 = tpu.memref_squeeze %dma_start3A_92 : memref<1x640x64xf32, #tpu.memory_space<vmem>> -> memref<640x64xf32, #tpu.memory_space<vmem>>
    %dma_start3A_94 = arith.constant 512 : i32
    %dma_start3A_95 = arith.constant 0 : i32
    %dma_start3A_96 = tpu.memref_slice %dma_start3A_93[%dma_start3A_94, %dma_start3A_95] : memref<640x64xf32, #tpu.memory_space<vmem>> -> memref<128x64xf32, #tpu.memory_space<vmem>>
    %dma_start3A_97 = arith.constant 0 : i32
    %dma_start3A_98 = tpu.memref_slice %arg8[%dma_start3A_87, %dma_start3A_97] : memref<80x128xi32, #tpu.memory_space<vmem>> -> memref<1x128xi32, #tpu.memory_space<vmem>>
    %dma_start3A_99 = tpu.memref_squeeze %dma_start3A_98 : memref<1x128xi32, #tpu.memory_space<vmem>> -> memref<128xi32, #tpu.memory_space<vmem>>
    %dma_start3A_100 = arith.constant 0 : i32
    %dma_start3A_101 = arith.constant 0 : i32
    %dma_start3A_102 = tpu.memref_slice %arg5[%dma_start3A_100, %dma_start3A_101] : memref<1000000x64xf32, #tpu.memory_space<hbm>> -> memref<1000000x64xf32, #tpu.memory_space<hbm>>
    %dma_start3A_103 = tpu.memref_slice %arg12[%dma_start3A_89] : memref<2x!tpu.dma_semaphore, #tpu.memory_space<semaphore_mem>> -> memref<1x!tpu.dma_semaphore, #tpu.memory_space<semaphore_mem>>
    %dma_start3A_104 = tpu.memref_squeeze %dma_start3A_103 : memref<1x!tpu.dma_semaphore, #tpu.memory_space<semaphore_mem>> -> memref<!tpu.dma_semaphore, #tpu.memory_space<semaphore_mem>>
    tpu.enqueue_indirect_dma source(%dma_start3A_102 : memref<1000000x64xf32, #tpu.memory_space<hbm>>) target(%dma_start3A_96 : memref<128x64xf32, #tpu.memory_space<vmem>>) offsets(%dma_start3A_99 : memref<128xi32, #tpu.memory_space<vmem>>) semaphore(%dma_start3A_104 : memref<!tpu.dma_semaphore, #tpu.memory_space<semaphore_mem>>)
    %scan3A = arith.constant 0 : i32
    %scan3A_105 = arith.constant 0 : i32
    %scan3A_106 = arith.constant 16 : i32
    %scan3A_107 = arith.addi %scan3A_105, %scan3A_106 : i32
    %scan3A_108 = arith.constant 1 : i32
    scf.for %scan3A_145 = %scan3A_105 to %scan3A_107 step %scan3A_108  : i32 {
      %rem3A = arith.constant 2 : i32
      %rem3A_146 = arith.remsi %scan3A_145, %rem3A : i32
      %add3A_147 = arith.constant 1 : i32
      %add3A_148 = arith.addi %scan3A_145, %add3A_147 : i32
      %lt3A = arith.constant 16 : i32
      %lt3A_149 = arith.cmpi slt, %add3A_148, %lt3A : i32
      %convert_element_type3A = arith.extui %lt3A_149 : i1 to i32
      %cond3A = arith.constant 0 : i32
      %cond3A_150 = arith.cmpi ne, %convert_element_type3A, %cond3A : i32
      scf.if %cond3A_150 {
        %add3A_212 = arith.constant 1 : i32
        %add3A_213 = arith.addi %scan3A_145, %add3A_212 : i32
        %sub3A = arith.constant 1 : i32
        %sub3A_214 = arith.subi %sub3A, %rem3A_146 : i32
        %dma_start3A_215 = arith.constant 0 : i32
        %dma_start3A_216 = arith.constant 0 : i32
        %dma_start3A_217 = tpu.memref_slice %arg9[%sub3A_214, %dma_start3A_215, %dma_start3A_216] : memref<2x32x64xf32, #tpu.memory_space<vmem>> -> memref<1x32x64xf32, #tpu.memory_space<vmem>>
        %dma_start3A_218 = tpu.memref_squeeze %dma_start3A_217 : memref<1x32x64xf32, #tpu.memory_space<vmem>> -> memref<32x64xf32, #tpu.memory_space<vmem>>
        %dma_start3A_219 = arith.constant 0 : i32
        %dma_start3A_220 = tpu.memref_slice %arg7[%add3A_213, %dma_start3A_219] : memref<16x32xi32, #tpu.memory_space<vmem>> -> memref<1x32xi32, #tpu.memory_space<vmem>>
        %dma_start3A_221 = tpu.memref_squeeze %dma_start3A_220 : memref<1x32xi32, #tpu.memory_space<vmem>> -> memref<32xi32, #tpu.memory_space<vmem>>
        %dma_start3A_222 = arith.constant 0 : i32
        %dma_start3A_223 = arith.constant 0 : i32
        %dma_start3A_224 = tpu.memref_slice %arg4[%dma_start3A_222, %dma_start3A_223] : memref<1000000x64xf32, #tpu.memory_space<hbm>> -> memref<1000000x64xf32, #tpu.memory_space<hbm>>
        %dma_start3A_225 = tpu.memref_slice %arg12[%sub3A_214] : memref<2x!tpu.dma_semaphore, #tpu.memory_space<semaphore_mem>> -> memref<1x!tpu.dma_semaphore, #tpu.memory_space<semaphore_mem>>
        %dma_start3A_226 = tpu.memref_squeeze %dma_start3A_225 : memref<1x!tpu.dma_semaphore, #tpu.memory_space<semaphore_mem>> -> memref<!tpu.dma_semaphore, #tpu.memory_space<semaphore_mem>>
        tpu.enqueue_indirect_dma source(%dma_start3A_224 : memref<1000000x64xf32, #tpu.memory_space<hbm>>) target(%dma_start3A_218 : memref<32x64xf32, #tpu.memory_space<vmem>>) offsets(%dma_start3A_221 : memref<32xi32, #tpu.memory_space<vmem>>) semaphore(%dma_start3A_226 : memref<!tpu.dma_semaphore, #tpu.memory_space<semaphore_mem>>)
        %mul3A_227 = arith.constant 5 : i32
        %mul3A_228 = arith.muli %add3A_213, %mul3A_227 : i32
        %add3A_229 = arith.constant 0 : i32
        %add3A_230 = arith.addi %mul3A_228, %add3A_229 : i32
        %dma_start3A_231 = arith.constant 0 : i32
        %dma_start3A_232 = arith.constant 0 : i32
        %dma_start3A_233 = tpu.memref_slice %arg10[%sub3A_214, %dma_start3A_231, %dma_start3A_232] : memref<2x640x64xf32, #tpu.memory_space<vmem>> -> memref<1x640x64xf32, #tpu.memory_space<vmem>>
        %dma_start3A_234 = tpu.memref_squeeze %dma_start3A_233 : memref<1x640x64xf32, #tpu.memory_space<vmem>> -> memref<640x64xf32, #tpu.memory_space<vmem>>
        %dma_start3A_235 = arith.constant 0 : i32
        %dma_start3A_236 = arith.constant 0 : i32
        %dma_start3A_237 = tpu.memref_slice %dma_start3A_234[%dma_start3A_235, %dma_start3A_236] : memref<640x64xf32, #tpu.memory_space<vmem>> -> memref<128x64xf32, #tpu.memory_space<vmem>>
        %dma_start3A_238 = arith.constant 0 : i32
        %dma_start3A_239 = tpu.memref_slice %arg8[%add3A_230, %dma_start3A_238] : memref<80x128xi32, #tpu.memory_space<vmem>> -> memref<1x128xi32, #tpu.memory_space<vmem>>
        %dma_start3A_240 = tpu.memref_squeeze %dma_start3A_239 : memref<1x128xi32, #tpu.memory_space<vmem>> -> memref<128xi32, #tpu.memory_space<vmem>>
        %dma_start3A_241 = arith.constant 0 : i32
        %dma_start3A_242 = arith.constant 0 : i32
        %dma_start3A_243 = tpu.memref_slice %arg5[%dma_start3A_241, %dma_start3A_242] : memref<1000000x64xf32, #tpu.memory_space<hbm>> -> memref<1000000x64xf32, #tpu.memory_space<hbm>>
        %dma_start3A_244 = tpu.memref_slice %arg12[%sub3A_214] : memref<2x!tpu.dma_semaphore, #tpu.memory_space<semaphore_mem>> -> memref<1x!tpu.dma_semaphore, #tpu.memory_space<semaphore_mem>>
        %dma_start3A_245 = tpu.memref_squeeze %dma_start3A_244 : memref<1x!tpu.dma_semaphore, #tpu.memory_space<semaphore_mem>> -> memref<!tpu.dma_semaphore, #tpu.memory_space<semaphore_mem>>
        tpu.enqueue_indirect_dma source(%dma_start3A_243 : memref<1000000x64xf32, #tpu.memory_space<hbm>>) target(%dma_start3A_237 : memref<128x64xf32, #tpu.memory_space<vmem>>) offsets(%dma_start3A_240 : memref<128xi32, #tpu.memory_space<vmem>>) semaphore(%dma_start3A_245 : memref<!tpu.dma_semaphore, #tpu.memory_space<semaphore_mem>>)
        %mul3A_246 = arith.constant 5 : i32
        %mul3A_247 = arith.muli %add3A_213, %mul3A_246 : i32
        %add3A_248 = arith.constant 1 : i32
        %add3A_249 = arith.addi %mul3A_247, %add3A_248 : i32
        %dma_start3A_250 = arith.constant 0 : i32
        %dma_start3A_251 = arith.constant 0 : i32
        %dma_start3A_252 = tpu.memref_slice %arg10[%sub3A_214, %dma_start3A_250, %dma_start3A_251] : memref<2x640x64xf32, #tpu.memory_space<vmem>> -> memref<1x640x64xf32, #tpu.memory_space<vmem>>
        %dma_start3A_253 = tpu.memref_squeeze %dma_start3A_252 : memref<1x640x64xf32, #tpu.memory_space<vmem>> -> memref<640x64xf32, #tpu.memory_space<vmem>>
        %dma_start3A_254 = arith.constant 128 : i32
        %dma_start3A_255 = arith.constant 0 : i32
        %dma_start3A_256 = tpu.memref_slice %dma_start3A_253[%dma_start3A_254, %dma_start3A_255] : memref<640x64xf32, #tpu.memory_space<vmem>> -> memref<128x64xf32, #tpu.memory_space<vmem>>
        %dma_start3A_257 = arith.constant 0 : i32
        %dma_start3A_258 = tpu.memref_slice %arg8[%add3A_249, %dma_start3A_257] : memref<80x128xi32, #tpu.memory_space<vmem>> -> memref<1x128xi32, #tpu.memory_space<vmem>>
        %dma_start3A_259 = tpu.memref_squeeze %dma_start3A_258 : memref<1x128xi32, #tpu.memory_space<vmem>> -> memref<128xi32, #tpu.memory_space<vmem>>
        %dma_start3A_260 = arith.constant 0 : i32
        %dma_start3A_261 = arith.constant 0 : i32
        %dma_start3A_262 = tpu.memref_slice %arg5[%dma_start3A_260, %dma_start3A_261] : memref<1000000x64xf32, #tpu.memory_space<hbm>> -> memref<1000000x64xf32, #tpu.memory_space<hbm>>
        %dma_start3A_263 = tpu.memref_slice %arg12[%sub3A_214] : memref<2x!tpu.dma_semaphore, #tpu.memory_space<semaphore_mem>> -> memref<1x!tpu.dma_semaphore, #tpu.memory_space<semaphore_mem>>
        %dma_start3A_264 = tpu.memref_squeeze %dma_start3A_263 : memref<1x!tpu.dma_semaphore, #tpu.memory_space<semaphore_mem>> -> memref<!tpu.dma_semaphore, #tpu.memory_space<semaphore_mem>>
        tpu.enqueue_indirect_dma source(%dma_start3A_262 : memref<1000000x64xf32, #tpu.memory_space<hbm>>) target(%dma_start3A_256 : memref<128x64xf32, #tpu.memory_space<vmem>>) offsets(%dma_start3A_259 : memref<128xi32, #tpu.memory_space<vmem>>) semaphore(%dma_start3A_264 : memref<!tpu.dma_semaphore, #tpu.memory_space<semaphore_mem>>)
        %mul3A_265 = arith.constant 5 : i32
        %mul3A_266 = arith.muli %add3A_213, %mul3A_265 : i32
        %add3A_267 = arith.constant 2 : i32
        %add3A_268 = arith.addi %mul3A_266, %add3A_267 : i32
        %dma_start3A_269 = arith.constant 0 : i32
        %dma_start3A_270 = arith.constant 0 : i32
        %dma_start3A_271 = tpu.memref_slice %arg10[%sub3A_214, %dma_start3A_269, %dma_start3A_270] : memref<2x640x64xf32, #tpu.memory_space<vmem>> -> memref<1x640x64xf32, #tpu.memory_space<vmem>>
        %dma_start3A_272 = tpu.memref_squeeze %dma_start3A_271 : memref<1x640x64xf32, #tpu.memory_space<vmem>> -> memref<640x64xf32, #tpu.memory_space<vmem>>
        %dma_start3A_273 = arith.constant 256 : i32
        %dma_start3A_274 = arith.constant 0 : i32
        %dma_start3A_275 = tpu.memref_slice %dma_start3A_272[%dma_start3A_273, %dma_start3A_274] : memref<640x64xf32, #tpu.memory_space<vmem>> -> memref<128x64xf32, #tpu.memory_space<vmem>>
        %dma_start3A_276 = arith.constant 0 : i32
        %dma_start3A_277 = tpu.memref_slice %arg8[%add3A_268, %dma_start3A_276] : memref<80x128xi32, #tpu.memory_space<vmem>> -> memref<1x128xi32, #tpu.memory_space<vmem>>
        %dma_start3A_278 = tpu.memref_squeeze %dma_start3A_277 : memref<1x128xi32, #tpu.memory_space<vmem>> -> memref<128xi32, #tpu.memory_space<vmem>>
        %dma_start3A_279 = arith.constant 0 : i32
        %dma_start3A_280 = arith.constant 0 : i32
        %dma_start3A_281 = tpu.memref_slice %arg5[%dma_start3A_279, %dma_start3A_280] : memref<1000000x64xf32, #tpu.memory_space<hbm>> -> memref<1000000x64xf32, #tpu.memory_space<hbm>>
        %dma_start3A_282 = tpu.memref_slice %arg12[%sub3A_214] : memref<2x!tpu.dma_semaphore, #tpu.memory_space<semaphore_mem>> -> memref<1x!tpu.dma_semaphore, #tpu.memory_space<semaphore_mem>>
        %dma_start3A_283 = tpu.memref_squeeze %dma_start3A_282 : memref<1x!tpu.dma_semaphore, #tpu.memory_space<semaphore_mem>> -> memref<!tpu.dma_semaphore, #tpu.memory_space<semaphore_mem>>
        tpu.enqueue_indirect_dma source(%dma_start3A_281 : memref<1000000x64xf32, #tpu.memory_space<hbm>>) target(%dma_start3A_275 : memref<128x64xf32, #tpu.memory_space<vmem>>) offsets(%dma_start3A_278 : memref<128xi32, #tpu.memory_space<vmem>>) semaphore(%dma_start3A_283 : memref<!tpu.dma_semaphore, #tpu.memory_space<semaphore_mem>>)
        %mul3A_284 = arith.constant 5 : i32
        %mul3A_285 = arith.muli %add3A_213, %mul3A_284 : i32
        %add3A_286 = arith.constant 3 : i32
        %add3A_287 = arith.addi %mul3A_285, %add3A_286 : i32
        %dma_start3A_288 = arith.constant 0 : i32
        %dma_start3A_289 = arith.constant 0 : i32
        %dma_start3A_290 = tpu.memref_slice %arg10[%sub3A_214, %dma_start3A_288, %dma_start3A_289] : memref<2x640x64xf32, #tpu.memory_space<vmem>> -> memref<1x640x64xf32, #tpu.memory_space<vmem>>
        %dma_start3A_291 = tpu.memref_squeeze %dma_start3A_290 : memref<1x640x64xf32, #tpu.memory_space<vmem>> -> memref<640x64xf32, #tpu.memory_space<vmem>>
        %dma_start3A_292 = arith.constant 384 : i32
        %dma_start3A_293 = arith.constant 0 : i32
        %dma_start3A_294 = tpu.memref_slice %dma_start3A_291[%dma_start3A_292, %dma_start3A_293] : memref<640x64xf32, #tpu.memory_space<vmem>> -> memref<128x64xf32, #tpu.memory_space<vmem>>
        %dma_start3A_295 = arith.constant 0 : i32
        %dma_start3A_296 = tpu.memref_slice %arg8[%add3A_287, %dma_start3A_295] : memref<80x128xi32, #tpu.memory_space<vmem>> -> memref<1x128xi32, #tpu.memory_space<vmem>>
        %dma_start3A_297 = tpu.memref_squeeze %dma_start3A_296 : memref<1x128xi32, #tpu.memory_space<vmem>> -> memref<128xi32, #tpu.memory_space<vmem>>
        %dma_start3A_298 = arith.constant 0 : i32
        %dma_start3A_299 = arith.constant 0 : i32
        %dma_start3A_300 = tpu.memref_slice %arg5[%dma_start3A_298, %dma_start3A_299] : memref<1000000x64xf32, #tpu.memory_space<hbm>> -> memref<1000000x64xf32, #tpu.memory_space<hbm>>
        %dma_start3A_301 = tpu.memref_slice %arg12[%sub3A_214] : memref<2x!tpu.dma_semaphore, #tpu.memory_space<semaphore_mem>> -> memref<1x!tpu.dma_semaphore, #tpu.memory_space<semaphore_mem>>
        %dma_start3A_302 = tpu.memref_squeeze %dma_start3A_301 : memref<1x!tpu.dma_semaphore, #tpu.memory_space<semaphore_mem>> -> memref<!tpu.dma_semaphore, #tpu.memory_space<semaphore_mem>>
        tpu.enqueue_indirect_dma source(%dma_start3A_300 : memref<1000000x64xf32, #tpu.memory_space<hbm>>) target(%dma_start3A_294 : memref<128x64xf32, #tpu.memory_space<vmem>>) offsets(%dma_start3A_297 : memref<128xi32, #tpu.memory_space<vmem>>) semaphore(%dma_start3A_302 : memref<!tpu.dma_semaphore, #tpu.memory_space<semaphore_mem>>)
        %mul3A_303 = arith.constant 5 : i32
        %mul3A_304 = arith.muli %add3A_213, %mul3A_303 : i32
        %add3A_305 = arith.constant 4 : i32
        %add3A_306 = arith.addi %mul3A_304, %add3A_305 : i32
        %dma_start3A_307 = arith.constant 0 : i32
        %dma_start3A_308 = arith.constant 0 : i32
        %dma_start3A_309 = tpu.memref_slice %arg10[%sub3A_214, %dma_start3A_307, %dma_start3A_308] : memref<2x640x64xf32, #tpu.memory_space<vmem>> -> memref<1x640x64xf32, #tpu.memory_space<vmem>>
        %dma_start3A_310 = tpu.memref_squeeze %dma_start3A_309 : memref<1x640x64xf32, #tpu.memory_space<vmem>> -> memref<640x64xf32, #tpu.memory_space<vmem>>
        %dma_start3A_311 = arith.constant 512 : i32
        %dma_start3A_312 = arith.constant 0 : i32
        %dma_start3A_313 = tpu.memref_slice %dma_start3A_310[%dma_start3A_311, %dma_start3A_312] : memref<640x64xf32, #tpu.memory_space<vmem>> -> memref<128x64xf32, #tpu.memory_space<vmem>>
        %dma_start3A_314 = arith.constant 0 : i32
        %dma_start3A_315 = tpu.memref_slice %arg8[%add3A_306, %dma_start3A_314] : memref<80x128xi32, #tpu.memory_space<vmem>> -> memref<1x128xi32, #tpu.memory_space<vmem>>
        %dma_start3A_316 = tpu.memref_squeeze %dma_start3A_315 : memref<1x128xi32, #tpu.memory_space<vmem>> -> memref<128xi32, #tpu.memory_space<vmem>>
        %dma_start3A_317 = arith.constant 0 : i32
        %dma_start3A_318 = arith.constant 0 : i32
        %dma_start3A_319 = tpu.memref_slice %arg5[%dma_start3A_317, %dma_start3A_318] : memref<1000000x64xf32, #tpu.memory_space<hbm>> -> memref<1000000x64xf32, #tpu.memory_space<hbm>>
        %dma_start3A_320 = tpu.memref_slice %arg12[%sub3A_214] : memref<2x!tpu.dma_semaphore, #tpu.memory_space<semaphore_mem>> -> memref<1x!tpu.dma_semaphore, #tpu.memory_space<semaphore_mem>>
        %dma_start3A_321 = tpu.memref_squeeze %dma_start3A_320 : memref<1x!tpu.dma_semaphore, #tpu.memory_space<semaphore_mem>> -> memref<!tpu.dma_semaphore, #tpu.memory_space<semaphore_mem>>
        tpu.enqueue_indirect_dma source(%dma_start3A_319 : memref<1000000x64xf32, #tpu.memory_space<hbm>>) target(%dma_start3A_313 : memref<128x64xf32, #tpu.memory_space<vmem>>) offsets(%dma_start3A_316 : memref<128xi32, #tpu.memory_space<vmem>>) semaphore(%dma_start3A_321 : memref<!tpu.dma_semaphore, #tpu.memory_space<semaphore_mem>>)
      } else {
      }
      %dma_wait3A_151 = arith.constant 0 : i32
      %dma_wait3A_152 = arith.constant 0 : i32
      %dma_wait3A_153 = tpu.memref_slice %arg9[%rem3A_146, %dma_wait3A_151, %dma_wait3A_152] : memref<2x32x64xf32, #tpu.memory_space<vmem>> -> memref<1x32x64xf32, #tpu.memory_space<vmem>>
      %dma_wait3A_154 = tpu.memref_squeeze %dma_wait3A_153 : memref<1x32x64xf32, #tpu.memory_space<vmem>> -> memref<32x64xf32, #tpu.memory_space<vmem>>
      %dma_wait3A_155 = arith.constant 0 : i32
      %dma_wait3A_156 = arith.constant 0 : i32
      %dma_wait3A_157 = tpu.memref_slice %arg4[%dma_wait3A_155, %dma_wait3A_156] : memref<1000000x64xf32, #tpu.memory_space<hbm>> -> memref<32x64xf32, #tpu.memory_space<hbm>>
      %dma_wait3A_158 = tpu.memref_slice %arg12[%rem3A_146] : memref<2x!tpu.dma_semaphore, #tpu.memory_space<semaphore_mem>> -> memref<1x!tpu.dma_semaphore, #tpu.memory_space<semaphore_mem>>
      %dma_wait3A_159 = tpu.memref_squeeze %dma_wait3A_158 : memref<1x!tpu.dma_semaphore, #tpu.memory_space<semaphore_mem>> -> memref<!tpu.dma_semaphore, #tpu.memory_space<semaphore_mem>>
      %dma_wait3A_160 = arith.constant 0 : i32
      %dma_wait3A_161 = arith.constant 0 : i32
      %dma_wait3A_162 = tpu.memref_slice %arg9[%rem3A_146, %dma_wait3A_160, %dma_wait3A_161] : memref<2x32x64xf32, #tpu.memory_space<vmem>> -> memref<1x32x64xf32, #tpu.memory_space<vmem>>
      %dma_wait3A_163 = tpu.memref_squeeze %dma_wait3A_162 : memref<1x32x64xf32, #tpu.memory_space<vmem>> -> memref<32x64xf32, #tpu.memory_space<vmem>>
      %dma_wait3A_164 = arith.constant 0 : i32
      %dma_wait3A_165 = arith.constant 0 : i32
      %dma_wait3A_166 = tpu.memref_slice %arg4[%dma_wait3A_164, %dma_wait3A_165] : memref<1000000x64xf32, #tpu.memory_space<hbm>> -> memref<32x64xf32, #tpu.memory_space<hbm>>
      tpu.wait_dma2 semaphore(%dma_wait3A_159 : memref<!tpu.dma_semaphore, #tpu.memory_space<semaphore_mem>>) src(%dma_wait3A_166 : memref<32x64xf32, #tpu.memory_space<hbm>>) dst(%dma_wait3A_163 : memref<32x64xf32, #tpu.memory_space<vmem>>)
      %dma_wait3A_167 = arith.constant 0 : i32
      %dma_wait3A_168 = arith.constant 0 : i32
      %dma_wait3A_169 = tpu.memref_slice %arg10[%rem3A_146, %dma_wait3A_167, %dma_wait3A_168] : memref<2x640x64xf32, #tpu.memory_space<vmem>> -> memref<1x640x64xf32, #tpu.memory_space<vmem>>
      %dma_wait3A_170 = tpu.memref_squeeze %dma_wait3A_169 : memref<1x640x64xf32, #tpu.memory_space<vmem>> -> memref<640x64xf32, #tpu.memory_space<vmem>>
      %dma_wait3A_171 = arith.constant 0 : i32
      %dma_wait3A_172 = arith.constant 0 : i32
      %dma_wait3A_173 = tpu.memref_slice %arg5[%dma_wait3A_171, %dma_wait3A_172] : memref<1000000x64xf32, #tpu.memory_space<hbm>> -> memref<640x64xf32, #tpu.memory_space<hbm>>
      %dma_wait3A_174 = tpu.memref_slice %arg12[%rem3A_146] : memref<2x!tpu.dma_semaphore, #tpu.memory_space<semaphore_mem>> -> memref<1x!tpu.dma_semaphore, #tpu.memory_space<semaphore_mem>>
      %dma_wait3A_175 = tpu.memref_squeeze %dma_wait3A_174 : memref<1x!tpu.dma_semaphore, #tpu.memory_space<semaphore_mem>> -> memref<!tpu.dma_semaphore, #tpu.memory_space<semaphore_mem>>
      %dma_wait3A_176 = arith.constant 0 : i32
      %dma_wait3A_177 = arith.constant 0 : i32
      %dma_wait3A_178 = tpu.memref_slice %arg10[%rem3A_146, %dma_wait3A_176, %dma_wait3A_177] : memref<2x640x64xf32, #tpu.memory_space<vmem>> -> memref<1x640x64xf32, #tpu.memory_space<vmem>>
      %dma_wait3A_179 = tpu.memref_squeeze %dma_wait3A_178 : memref<1x640x64xf32, #tpu.memory_space<vmem>> -> memref<640x64xf32, #tpu.memory_space<vmem>>
      %dma_wait3A_180 = arith.constant 0 : i32
      %dma_wait3A_181 = arith.constant 0 : i32
      %dma_wait3A_182 = tpu.memref_slice %arg5[%dma_wait3A_180, %dma_wait3A_181] : memref<1000000x64xf32, #tpu.memory_space<hbm>> -> memref<640x64xf32, #tpu.memory_space<hbm>>
      tpu.wait_dma2 semaphore(%dma_wait3A_175 : memref<!tpu.dma_semaphore, #tpu.memory_space<semaphore_mem>>) src(%dma_wait3A_182 : memref<640x64xf32, #tpu.memory_space<hbm>>) dst(%dma_wait3A_179 : memref<640x64xf32, #tpu.memory_space<vmem>>)
      %mul3A_183 = arith.constant 10240 : i32
      %mul3A_184 = arith.muli %add3A, %mul3A_183 : i32
      %mul3A_185 = arith.constant 640 : i32
      %mul3A_186 = arith.muli %scan3A_145, %mul3A_185 : i32
      %add3A_187 = arith.addi %mul3A_184, %mul3A_186 : i32
      %ge3A = arith.constant 2 : i32
      %ge3A_188 = arith.cmpi sge, %scan3A_145, %ge3A : i32
      %convert_element_type3A_189 = arith.extui %ge3A_188 : i1 to i32
      %cond3A_190 = arith.constant 0 : i32
      %cond3A_191 = arith.cmpi ne, %convert_element_type3A_189, %cond3A_190 : i32
      scf.if %cond3A_191 {
        %dma_wait3A_212 = arith.constant 0 : i32
        %dma_wait3A_213 = arith.constant 0 : i32
        %dma_wait3A_214 = tpu.memref_slice %arg11[%rem3A_146, %dma_wait3A_212, %dma_wait3A_213] : memref<2x640x16xf32, #tpu.memory_space<vmem>> -> memref<1x640x16xf32, #tpu.memory_space<vmem>>
        %dma_wait3A_215 = tpu.memref_squeeze %dma_wait3A_214 : memref<1x640x16xf32, #tpu.memory_space<vmem>> -> memref<640x16xf32, #tpu.memory_space<vmem>>
        %dma_wait3A_216 = arith.constant 0 : i32
        %dma_wait3A_217 = tpu.memref_slice %arg6[%add3A_187, %dma_wait3A_216] : memref<327680x16xf32, #tpu.memory_space<hbm>> -> memref<640x16xf32, #tpu.memory_space<hbm>>
        %dma_wait3A_218 = tpu.memref_slice %arg13[%rem3A_146] : memref<2x!tpu.dma_semaphore, #tpu.memory_space<semaphore_mem>> -> memref<1x!tpu.dma_semaphore, #tpu.memory_space<semaphore_mem>>
        %dma_wait3A_219 = tpu.memref_squeeze %dma_wait3A_218 : memref<1x!tpu.dma_semaphore, #tpu.memory_space<semaphore_mem>> -> memref<!tpu.dma_semaphore, #tpu.memory_space<semaphore_mem>>
        %dma_wait3A_220 = arith.constant 0 : i32
        %dma_wait3A_221 = tpu.memref_slice %arg6[%add3A_187, %dma_wait3A_220] : memref<327680x16xf32, #tpu.memory_space<hbm>> -> memref<640x16xf32, #tpu.memory_space<hbm>>
        %dma_wait3A_222 = arith.constant 0 : i32
        %dma_wait3A_223 = arith.constant 0 : i32
        %dma_wait3A_224 = tpu.memref_slice %arg11[%rem3A_146, %dma_wait3A_222, %dma_wait3A_223] : memref<2x640x16xf32, #tpu.memory_space<vmem>> -> memref<1x640x16xf32, #tpu.memory_space<vmem>>
        %dma_wait3A_225 = tpu.memref_squeeze %dma_wait3A_224 : memref<1x640x16xf32, #tpu.memory_space<vmem>> -> memref<640x16xf32, #tpu.memory_space<vmem>>
        tpu.wait_dma2 semaphore(%dma_wait3A_219 : memref<!tpu.dma_semaphore, #tpu.memory_space<semaphore_mem>>) src(%dma_wait3A_225 : memref<640x16xf32, #tpu.memory_space<vmem>>) dst(%dma_wait3A_221 : memref<640x16xf32, #tpu.memory_space<hbm>>)
      } else {
      }
      %scan3A_192 = arith.constant 0 : i32
      %scan3A_193 = arith.constant 0 : i32
      %scan3A_194 = arith.constant 32 : i32
      %scan3A_195 = arith.addi %scan3A_193, %scan3A_194 : i32
      %scan3A_196 = arith.constant 1 : i32
      scf.for %scan3A_212 = %scan3A_193 to %scan3A_195 step %scan3A_196  : i32 {
        %get3A = arith.constant 0 : i32
        %get3A_213 = arith.constant 0 : i32
        %get3A_214 = tpu.memref_slice %arg9[%rem3A_146, %get3A, %get3A_213] : memref<2x32x64xf32, #tpu.memory_space<vmem>> -> memref<1x32x64xf32, #tpu.memory_space<vmem>>
        %get3A_215 = tpu.memref_squeeze %get3A_214 : memref<1x32x64xf32, #tpu.memory_space<vmem>> -> memref<32x64xf32, #tpu.memory_space<vmem>>
        %get3A_216 = arith.index_cast %scan3A_212 : i32 to index
        %get3A_217 = arith.constant 0 : index
        %get3A_218 = tpu.vector_load %get3A_215[%get3A_216, %get3A_217] {strides = array<i32>} : memref<32x64xf32, #tpu.memory_space<vmem>>, vector<1x16xf32>,
        %get3A_219 = vector.shape_cast %get3A_218 : vector<1x16xf32> to vector<16xf32>
        %get3A_220 = arith.constant 0 : i32
        %get3A_221 = arith.constant 0 : i32
        %get3A_222 = tpu.memref_slice %arg9[%rem3A_146, %get3A_220, %get3A_221] : memref<2x32x64xf32, #tpu.memory_space<vmem>> -> memref<1x32x64xf32, #tpu.memory_space<vmem>>
        %get3A_223 = tpu.memref_squeeze %get3A_222 : memref<1x32x64xf32, #tpu.memory_space<vmem>> -> memref<32x64xf32, #tpu.memory_space<vmem>>
        %get3A_224 = arith.index_cast %scan3A_212 : i32 to index
        %get3A_225 = arith.constant 16 : index
        %get3A_226 = tpu.vector_load %get3A_223[%get3A_224, %get3A_225] {strides = array<i32>} : memref<32x64xf32, #tpu.memory_space<vmem>>, vector<1x16xf32>,
        %get3A_227 = vector.shape_cast %get3A_226 : vector<1x16xf32> to vector<16xf32>
        %get3A_228 = arith.constant 0 : i32
        %get3A_229 = arith.constant 0 : i32
        %get3A_230 = tpu.memref_slice %arg9[%rem3A_146, %get3A_228, %get3A_229] : memref<2x32x64xf32, #tpu.memory_space<vmem>> -> memref<1x32x64xf32, #tpu.memory_space<vmem>>
        %get3A_231 = tpu.memref_squeeze %get3A_230 : memref<1x32x64xf32, #tpu.memory_space<vmem>> -> memref<32x64xf32, #tpu.memory_space<vmem>>
        %get3A_232 = arith.index_cast %scan3A_212 : i32 to index
        %get3A_233 = arith.constant 32 : index
        %get3A_234 = tpu.vector_load %get3A_231[%get3A_232, %get3A_233] {strides = array<i32>} : memref<32x64xf32, #tpu.memory_space<vmem>>, vector<1x16xf32>,
        %get3A_235 = vector.shape_cast %get3A_234 : vector<1x16xf32> to vector<16xf32>
        %get3A_236 = arith.constant 0 : i32
        %get3A_237 = arith.constant 0 : i32
        %get3A_238 = tpu.memref_slice %arg9[%rem3A_146, %get3A_236, %get3A_237] : memref<2x32x64xf32, #tpu.memory_space<vmem>> -> memref<1x32x64xf32, #tpu.memory_space<vmem>>
        %get3A_239 = tpu.memref_squeeze %get3A_238 : memref<1x32x64xf32, #tpu.memory_space<vmem>> -> memref<32x64xf32, #tpu.memory_space<vmem>>
        %get3A_240 = arith.index_cast %scan3A_212 : i32 to index
        %get3A_241 = arith.constant 48 : index
        %get3A_242 = tpu.vector_load %get3A_239[%get3A_240, %get3A_241] {strides = array<i32>} : memref<32x64xf32, #tpu.memory_space<vmem>>, vector<1x16xf32>,
        %get3A_243 = vector.shape_cast %get3A_242 : vector<1x16xf32> to vector<16xf32>
        %mul3A_244 = arith.constant 20 : i32
        %mul3A_245 = arith.muli %scan3A_212, %mul3A_244 : i32
        %add3A_246 = arith.constant 0 : i32
        %add3A_247 = arith.addi %mul3A_245, %add3A_246 : i32
        %get3A_248 = arith.constant 0 : i32
        %get3A_249 = arith.constant 0 : i32
        %get3A_250 = tpu.memref_slice %arg10[%rem3A_146, %get3A_248, %get3A_249] : memref<2x640x64xf32, #tpu.memory_space<vmem>> -> memref<1x640x64xf32, #tpu.memory_space<vmem>>
        %get3A_251 = tpu.memref_squeeze %get3A_250 : memref<1x640x64xf32, #tpu.memory_space<vmem>> -> memref<640x64xf32, #tpu.memory_space<vmem>>
        %get3A_252 = arith.index_cast %add3A_247 : i32 to index
        %get3A_253 = arith.constant 0 : index
        %get3A_254 = tpu.vector_load %get3A_251[%get3A_252, %get3A_253] {strides = array<i32>} : memref<640x64xf32, #tpu.memory_space<vmem>>, vector<1x16xf32>,
        %get3A_255 = vector.shape_cast %get3A_254 : vector<1x16xf32> to vector<16xf32>
        %mul3A_256 = arith.mulf %get3A_255, %get3A_219 : vector<16xf32>
        %get3A_257 = arith.constant 0 : i32
        %get3A_258 = arith.constant 0 : i32
        %get3A_259 = tpu.memref_slice %arg10[%rem3A_146, %get3A_257, %get3A_258] : memref<2x640x64xf32, #tpu.memory_space<vmem>> -> memref<1x640x64xf32, #tpu.memory_space<vmem>>
        %get3A_260 = tpu.memref_squeeze %get3A_259 : memref<1x640x64xf32, #tpu.memory_space<vmem>> -> memref<640x64xf32, #tpu.memory_space<vmem>>
        %get3A_261 = arith.index_cast %add3A_247 : i32 to index
        %get3A_262 = arith.constant 16 : index
        %get3A_263 = tpu.vector_load %get3A_260[%get3A_261, %get3A_262] {strides = array<i32>} : memref<640x64xf32, #tpu.memory_space<vmem>>, vector<1x16xf32>,
        %get3A_264 = vector.shape_cast %get3A_263 : vector<1x16xf32> to vector<16xf32>
        %mul3A_265 = arith.mulf %get3A_264, %get3A_227 : vector<16xf32>
        %add3A_266 = arith.addf %mul3A_256, %mul3A_265 : vector<16xf32>
        %get3A_267 = arith.constant 0 : i32
        %get3A_268 = arith.constant 0 : i32
        %get3A_269 = tpu.memref_slice %arg10[%rem3A_146, %get3A_267, %get3A_268] : memref<2x640x64xf32, #tpu.memory_space<vmem>> -> memref<1x640x64xf32, #tpu.memory_space<vmem>>
        %get3A_270 = tpu.memref_squeeze %get3A_269 : memref<1x640x64xf32, #tpu.memory_space<vmem>> -> memref<640x64xf32, #tpu.memory_space<vmem>>
        %get3A_271 = arith.index_cast %add3A_247 : i32 to index
        %get3A_272 = arith.constant 32 : index
        %get3A_273 = tpu.vector_load %get3A_270[%get3A_271, %get3A_272] {strides = array<i32>} : memref<640x64xf32, #tpu.memory_space<vmem>>, vector<1x16xf32>,
        %get3A_274 = vector.shape_cast %get3A_273 : vector<1x16xf32> to vector<16xf32>
        %mul3A_275 = arith.mulf %get3A_274, %get3A_235 : vector<16xf32>
        %add3A_276 = arith.addf %add3A_266, %mul3A_275 : vector<16xf32>
        %get3A_277 = arith.constant 0 : i32
        %get3A_278 = arith.constant 0 : i32
        %get3A_279 = tpu.memref_slice %arg10[%rem3A_146, %get3A_277, %get3A_278] : memref<2x640x64xf32, #tpu.memory_space<vmem>> -> memref<1x640x64xf32, #tpu.memory_space<vmem>>
        %get3A_280 = tpu.memref_squeeze %get3A_279 : memref<1x640x64xf32, #tpu.memory_space<vmem>> -> memref<640x64xf32, #tpu.memory_space<vmem>>
        %get3A_281 = arith.index_cast %add3A_247 : i32 to index
        %get3A_282 = arith.constant 48 : index
        %get3A_283 = tpu.vector_load %get3A_280[%get3A_281, %get3A_282] {strides = array<i32>} : memref<640x64xf32, #tpu.memory_space<vmem>>, vector<1x16xf32>,
        %get3A_284 = vector.shape_cast %get3A_283 : vector<1x16xf32> to vector<16xf32>
        %mul3A_285 = arith.mulf %get3A_284, %get3A_243 : vector<16xf32>
        %add3A_286 = arith.addf %add3A_276, %mul3A_285 : vector<16xf32>
        %swap3A = arith.constant 0 : i32
        %swap3A_287 = arith.constant 0 : i32
        %swap3A_288 = tpu.memref_slice %arg11[%rem3A_146, %swap3A, %swap3A_287] : memref<2x640x16xf32, #tpu.memory_space<vmem>> -> memref<1x640x16xf32, #tpu.memory_space<vmem>>
        %swap3A_289 = tpu.memref_squeeze %swap3A_288 : memref<1x640x16xf32, #tpu.memory_space<vmem>> -> memref<640x16xf32, #tpu.memory_space<vmem>>
        %swap3A_290 = arith.index_cast %add3A_247 : i32 to index
        %swap3A_291 = arith.constant 0 : index
        %swap3A_292 = tpu.vector_load %swap3A_289[%swap3A_290, %swap3A_291] {strides = array<i32>} : memref<640x16xf32, #tpu.memory_space<vmem>>, vector<1x16xf32>,
        %swap3A_293 = vector.shape_cast %swap3A_292 : vector<1x16xf32> to vector<16xf32>
        %swap3A_294 = vector.shape_cast %add3A_286 : vector<16xf32> to vector<1x16xf32>
        tpu.vector_store %swap3A_289[%swap3A_290, %swap3A_291], %swap3A_294 {strides = array<i32>} : memref<640x16xf32, #tpu.memory_space<vmem>>, vector<1x16xf32>,
        %add3A_295 = arith.constant 1 : i32
        %add3A_296 = arith.addi %mul3A_245, %add3A_295 : i32
        %get3A_297 = arith.constant 0 : i32
        %get3A_298 = arith.constant 0 : i32
        %get3A_299 = tpu.memref_slice %arg10[%rem3A_146, %get3A_297, %get3A_298] : memref<2x640x64xf32, #tpu.memory_space<vmem>> -> memref<1x640x64xf32, #tpu.memory_space<vmem>>
        %get3A_300 = tpu.memref_squeeze %get3A_299 : memref<1x640x64xf32, #tpu.memory_space<vmem>> -> memref<640x64xf32, #tpu.memory_space<vmem>>
        %get3A_301 = arith.index_cast %add3A_296 : i32 to index
        %get3A_302 = arith.constant 0 : index
        %get3A_303 = tpu.vector_load %get3A_300[%get3A_301, %get3A_302] {strides = array<i32>} : memref<640x64xf32, #tpu.memory_space<vmem>>, vector<1x16xf32>,
        %get3A_304 = vector.shape_cast %get3A_303 : vector<1x16xf32> to vector<16xf32>
        %mul3A_305 = arith.mulf %get3A_304, %get3A_219 : vector<16xf32>
        %get3A_306 = arith.constant 0 : i32
        %get3A_307 = arith.constant 0 : i32
        %get3A_308 = tpu.memref_slice %arg10[%rem3A_146, %get3A_306, %get3A_307] : memref<2x640x64xf32, #tpu.memory_space<vmem>> -> memref<1x640x64xf32, #tpu.memory_space<vmem>>
        %get3A_309 = tpu.memref_squeeze %get3A_308 : memref<1x640x64xf32, #tpu.memory_space<vmem>> -> memref<640x64xf32, #tpu.memory_space<vmem>>
        %get3A_310 = arith.index_cast %add3A_296 : i32 to index
        %get3A_311 = arith.constant 16 : index
        %get3A_312 = tpu.vector_load %get3A_309[%get3A_310, %get3A_311] {strides = array<i32>} : memref<640x64xf32, #tpu.memory_space<vmem>>, vector<1x16xf32>,
        %get3A_313 = vector.shape_cast %get3A_312 : vector<1x16xf32> to vector<16xf32>
        %mul3A_314 = arith.mulf %get3A_313, %get3A_227 : vector<16xf32>
        %add3A_315 = arith.addf %mul3A_305, %mul3A_314 : vector<16xf32>
        %get3A_316 = arith.constant 0 : i32
        %get3A_317 = arith.constant 0 : i32
        %get3A_318 = tpu.memref_slice %arg10[%rem3A_146, %get3A_316, %get3A_317] : memref<2x640x64xf32, #tpu.memory_space<vmem>> -> memref<1x640x64xf32, #tpu.memory_space<vmem>>
        %get3A_319 = tpu.memref_squeeze %get3A_318 : memref<1x640x64xf32, #tpu.memory_space<vmem>> -> memref<640x64xf32, #tpu.memory_space<vmem>>
        %get3A_320 = arith.index_cast %add3A_296 : i32 to index
        %get3A_321 = arith.constant 32 : index
        %get3A_322 = tpu.vector_load %get3A_319[%get3A_320, %get3A_321] {strides = array<i32>} : memref<640x64xf32, #tpu.memory_space<vmem>>, vector<1x16xf32>,
        %get3A_323 = vector.shape_cast %get3A_322 : vector<1x16xf32> to vector<16xf32>
        %mul3A_324 = arith.mulf %get3A_323, %get3A_235 : vector<16xf32>
        %add3A_325 = arith.addf %add3A_315, %mul3A_324 : vector<16xf32>
        %get3A_326 = arith.constant 0 : i32
        %get3A_327 = arith.constant 0 : i32
        %get3A_328 = tpu.memref_slice %arg10[%rem3A_146, %get3A_326, %get3A_327] : memref<2x640x64xf32, #tpu.memory_space<vmem>> -> memref<1x640x64xf32, #tpu.memory_space<vmem>>
        %get3A_329 = tpu.memref_squeeze %get3A_328 : memref<1x640x64xf32, #tpu.memory_space<vmem>> -> memref<640x64xf32, #tpu.memory_space<vmem>>
        %get3A_330 = arith.index_cast %add3A_296 : i32 to index
        %get3A_331 = arith.constant 48 : index
        %get3A_332 = tpu.vector_load %get3A_329[%get3A_330, %get3A_331] {strides = array<i32>} : memref<640x64xf32, #tpu.memory_space<vmem>>, vector<1x16xf32>,
        %get3A_333 = vector.shape_cast %get3A_332 : vector<1x16xf32> to vector<16xf32>
        %mul3A_334 = arith.mulf %get3A_333, %get3A_243 : vector<16xf32>
        %add3A_335 = arith.addf %add3A_325, %mul3A_334 : vector<16xf32>
        %swap3A_336 = arith.constant 0 : i32
        %swap3A_337 = arith.constant 0 : i32
        %swap3A_338 = tpu.memref_slice %arg11[%rem3A_146, %swap3A_336, %swap3A_337] : memref<2x640x16xf32, #tpu.memory_space<vmem>> -> memref<1x640x16xf32, #tpu.memory_space<vmem>>
        %swap3A_339 = tpu.memref_squeeze %swap3A_338 : memref<1x640x16xf32, #tpu.memory_space<vmem>> -> memref<640x16xf32, #tpu.memory_space<vmem>>
        %swap3A_340 = arith.index_cast %add3A_296 : i32 to index
        %swap3A_341 = arith.constant 0 : index
        %swap3A_342 = tpu.vector_load %swap3A_339[%swap3A_340, %swap3A_341] {strides = array<i32>} : memref<640x16xf32, #tpu.memory_space<vmem>>, vector<1x16xf32>,
        %swap3A_343 = vector.shape_cast %swap3A_342 : vector<1x16xf32> to vector<16xf32>
        %swap3A_344 = vector.shape_cast %add3A_335 : vector<16xf32> to vector<1x16xf32>
        tpu.vector_store %swap3A_339[%swap3A_340, %swap3A_341], %swap3A_344 {strides = array<i32>} : memref<640x16xf32, #tpu.memory_space<vmem>>, vector<1x16xf32>,
        %add3A_345 = arith.constant 2 : i32
        %add3A_346 = arith.addi %mul3A_245, %add3A_345 : i32
        %get3A_347 = arith.constant 0 : i32
        %get3A_348 = arith.constant 0 : i32
        %get3A_349 = tpu.memref_slice %arg10[%rem3A_146, %get3A_347, %get3A_348] : memref<2x640x64xf32, #tpu.memory_space<vmem>> -> memref<1x640x64xf32, #tpu.memory_space<vmem>>
        %get3A_350 = tpu.memref_squeeze %get3A_349 : memref<1x640x64xf32, #tpu.memory_space<vmem>> -> memref<640x64xf32, #tpu.memory_space<vmem>>
        %get3A_351 = arith.index_cast %add3A_346 : i32 to index
        %get3A_352 = arith.constant 0 : index
        %get3A_353 = tpu.vector_load %get3A_350[%get3A_351, %get3A_352] {strides = array<i32>} : memref<640x64xf32, #tpu.memory_space<vmem>>, vector<1x16xf32>,
        %get3A_354 = vector.shape_cast %get3A_353 : vector<1x16xf32> to vector<16xf32>
        %mul3A_355 = arith.mulf %get3A_354, %get3A_219 : vector<16xf32>
        %get3A_356 = arith.constant 0 : i32
        %get3A_357 = arith.constant 0 : i32
        %get3A_358 = tpu.memref_slice %arg10[%rem3A_146, %get3A_356, %get3A_357] : memref<2x640x64xf32, #tpu.memory_space<vmem>> -> memref<1x640x64xf32, #tpu.memory_space<vmem>>
        %get3A_359 = tpu.memref_squeeze %get3A_358 : memref<1x640x64xf32, #tpu.memory_space<vmem>> -> memref<640x64xf32, #tpu.memory_space<vmem>>
        %get3A_360 = arith.index_cast %add3A_346 : i32 to index
        %get3A_361 = arith.constant 16 : index
        %get3A_362 = tpu.vector_load %get3A_359[%get3A_360, %get3A_361] {strides = array<i32>} : memref<640x64xf32, #tpu.memory_space<vmem>>, vector<1x16xf32>,
        %get3A_363 = vector.shape_cast %get3A_362 : vector<1x16xf32> to vector<16xf32>
        %mul3A_364 = arith.mulf %get3A_363, %get3A_227 : vector<16xf32>
        %add3A_365 = arith.addf %mul3A_355, %mul3A_364 : vector<16xf32>
        %get3A_366 = arith.constant 0 : i32
        %get3A_367 = arith.constant 0 : i32
        %get3A_368 = tpu.memref_slice %arg10[%rem3A_146, %get3A_366, %get3A_367] : memref<2x640x64xf32, #tpu.memory_space<vmem>> -> memref<1x640x64xf32, #tpu.memory_space<vmem>>
        %get3A_369 = tpu.memref_squeeze %get3A_368 : memref<1x640x64xf32, #tpu.memory_space<vmem>> -> memref<640x64xf32, #tpu.memory_space<vmem>>
        %get3A_370 = arith.index_cast %add3A_346 : i32 to index
        %get3A_371 = arith.constant 32 : index
        %get3A_372 = tpu.vector_load %get3A_369[%get3A_370, %get3A_371] {strides = array<i32>} : memref<640x64xf32, #tpu.memory_space<vmem>>, vector<1x16xf32>,
        %get3A_373 = vector.shape_cast %get3A_372 : vector<1x16xf32> to vector<16xf32>
        %mul3A_374 = arith.mulf %get3A_373, %get3A_235 : vector<16xf32>
        %add3A_375 = arith.addf %add3A_365, %mul3A_374 : vector<16xf32>
        %get3A_376 = arith.constant 0 : i32
        %get3A_377 = arith.constant 0 : i32
        %get3A_378 = tpu.memref_slice %arg10[%rem3A_146, %get3A_376, %get3A_377] : memref<2x640x64xf32, #tpu.memory_space<vmem>> -> memref<1x640x64xf32, #tpu.memory_space<vmem>>
        %get3A_379 = tpu.memref_squeeze %get3A_378 : memref<1x640x64xf32, #tpu.memory_space<vmem>> -> memref<640x64xf32, #tpu.memory_space<vmem>>
        %get3A_380 = arith.index_cast %add3A_346 : i32 to index
        %get3A_381 = arith.constant 48 : index
        %get3A_382 = tpu.vector_load %get3A_379[%get3A_380, %get3A_381] {strides = array<i32>} : memref<640x64xf32, #tpu.memory_space<vmem>>, vector<1x16xf32>,
        %get3A_383 = vector.shape_cast %get3A_382 : vector<1x16xf32> to vector<16xf32>
        %mul3A_384 = arith.mulf %get3A_383, %get3A_243 : vector<16xf32>
        %add3A_385 = arith.addf %add3A_375, %mul3A_384 : vector<16xf32>
        %swap3A_386 = arith.constant 0 : i32
        %swap3A_387 = arith.constant 0 : i32
        %swap3A_388 = tpu.memref_slice %arg11[%rem3A_146, %swap3A_386, %swap3A_387] : memref<2x640x16xf32, #tpu.memory_space<vmem>> -> memref<1x640x16xf32, #tpu.memory_space<vmem>>
        %swap3A_389 = tpu.memref_squeeze %swap3A_388 : memref<1x640x16xf32, #tpu.memory_space<vmem>> -> memref<640x16xf32, #tpu.memory_space<vmem>>
        %swap3A_390 = arith.index_cast %add3A_346 : i32 to index
        %swap3A_391 = arith.constant 0 : index
        %swap3A_392 = tpu.vector_load %swap3A_389[%swap3A_390, %swap3A_391] {strides = array<i32>} : memref<640x16xf32, #tpu.memory_space<vmem>>, vector<1x16xf32>,
        %swap3A_393 = vector.shape_cast %swap3A_392 : vector<1x16xf32> to vector<16xf32>
        %swap3A_394 = vector.shape_cast %add3A_385 : vector<16xf32> to vector<1x16xf32>
        tpu.vector_store %swap3A_389[%swap3A_390, %swap3A_391], %swap3A_394 {strides = array<i32>} : memref<640x16xf32, #tpu.memory_space<vmem>>, vector<1x16xf32>,
        %add3A_395 = arith.constant 3 : i32
        %add3A_396 = arith.addi %mul3A_245, %add3A_395 : i32
        %get3A_397 = arith.constant 0 : i32
        %get3A_398 = arith.constant 0 : i32
        %get3A_399 = tpu.memref_slice %arg10[%rem3A_146, %get3A_397, %get3A_398] : memref<2x640x64xf32, #tpu.memory_space<vmem>> -> memref<1x640x64xf32, #tpu.memory_space<vmem>>
        %get3A_400 = tpu.memref_squeeze %get3A_399 : memref<1x640x64xf32, #tpu.memory_space<vmem>> -> memref<640x64xf32, #tpu.memory_space<vmem>>
        %get3A_401 = arith.index_cast %add3A_396 : i32 to index
        %get3A_402 = arith.constant 0 : index
        %get3A_403 = tpu.vector_load %get3A_400[%get3A_401, %get3A_402] {strides = array<i32>} : memref<640x64xf32, #tpu.memory_space<vmem>>, vector<1x16xf32>,
        %get3A_404 = vector.shape_cast %get3A_403 : vector<1x16xf32> to vector<16xf32>
        %mul3A_405 = arith.mulf %get3A_404, %get3A_219 : vector<16xf32>
        %get3A_406 = arith.constant 0 : i32
        %get3A_407 = arith.constant 0 : i32
        %get3A_408 = tpu.memref_slice %arg10[%rem3A_146, %get3A_406, %get3A_407] : memref<2x640x64xf32, #tpu.memory_space<vmem>> -> memref<1x640x64xf32, #tpu.memory_space<vmem>>
        %get3A_409 = tpu.memref_squeeze %get3A_408 : memref<1x640x64xf32, #tpu.memory_space<vmem>> -> memref<640x64xf32, #tpu.memory_space<vmem>>
        %get3A_410 = arith.index_cast %add3A_396 : i32 to index
        %get3A_411 = arith.constant 16 : index
        %get3A_412 = tpu.vector_load %get3A_409[%get3A_410, %get3A_411] {strides = array<i32>} : memref<640x64xf32, #tpu.memory_space<vmem>>, vector<1x16xf32>,
        %get3A_413 = vector.shape_cast %get3A_412 : vector<1x16xf32> to vector<16xf32>
        %mul3A_414 = arith.mulf %get3A_413, %get3A_227 : vector<16xf32>
        %add3A_415 = arith.addf %mul3A_405, %mul3A_414 : vector<16xf32>
        %get3A_416 = arith.constant 0 : i32
        %get3A_417 = arith.constant 0 : i32
        %get3A_418 = tpu.memref_slice %arg10[%rem3A_146, %get3A_416, %get3A_417] : memref<2x640x64xf32, #tpu.memory_space<vmem>> -> memref<1x640x64xf32, #tpu.memory_space<vmem>>
        %get3A_419 = tpu.memref_squeeze %get3A_418 : memref<1x640x64xf32, #tpu.memory_space<vmem>> -> memref<640x64xf32, #tpu.memory_space<vmem>>
        %get3A_420 = arith.index_cast %add3A_396 : i32 to index
        %get3A_421 = arith.constant 32 : index
        %get3A_422 = tpu.vector_load %get3A_419[%get3A_420, %get3A_421] {strides = array<i32>} : memref<640x64xf32, #tpu.memory_space<vmem>>, vector<1x16xf32>,
        %get3A_423 = vector.shape_cast %get3A_422 : vector<1x16xf32> to vector<16xf32>
        %mul3A_424 = arith.mulf %get3A_423, %get3A_235 : vector<16xf32>
        %add3A_425 = arith.addf %add3A_415, %mul3A_424 : vector<16xf32>
        %get3A_426 = arith.constant 0 : i32
        %get3A_427 = arith.constant 0 : i32
        %get3A_428 = tpu.memref_slice %arg10[%rem3A_146, %get3A_426, %get3A_427] : memref<2x640x64xf32, #tpu.memory_space<vmem>> -> memref<1x640x64xf32, #tpu.memory_space<vmem>>
        %get3A_429 = tpu.memref_squeeze %get3A_428 : memref<1x640x64xf32, #tpu.memory_space<vmem>> -> memref<640x64xf32, #tpu.memory_space<vmem>>
        %get3A_430 = arith.index_cast %add3A_396 : i32 to index
        %get3A_431 = arith.constant 48 : index
        %get3A_432 = tpu.vector_load %get3A_429[%get3A_430, %get3A_431] {strides = array<i32>} : memref<640x64xf32, #tpu.memory_space<vmem>>, vector<1x16xf32>,
        %get3A_433 = vector.shape_cast %get3A_432 : vector<1x16xf32> to vector<16xf32>
        %mul3A_434 = arith.mulf %get3A_433, %get3A_243 : vector<16xf32>
        %add3A_435 = arith.addf %add3A_425, %mul3A_434 : vector<16xf32>
        %swap3A_436 = arith.constant 0 : i32
        %swap3A_437 = arith.constant 0 : i32
        %swap3A_438 = tpu.memref_slice %arg11[%rem3A_146, %swap3A_436, %swap3A_437] : memref<2x640x16xf32, #tpu.memory_space<vmem>> -> memref<1x640x16xf32, #tpu.memory_space<vmem>>
        %swap3A_439 = tpu.memref_squeeze %swap3A_438 : memref<1x640x16xf32, #tpu.memory_space<vmem>> -> memref<640x16xf32, #tpu.memory_space<vmem>>
        %swap3A_440 = arith.index_cast %add3A_396 : i32 to index
        %swap3A_441 = arith.constant 0 : index
        %swap3A_442 = tpu.vector_load %swap3A_439[%swap3A_440, %swap3A_441] {strides = array<i32>} : memref<640x16xf32, #tpu.memory_space<vmem>>, vector<1x16xf32>,
        %swap3A_443 = vector.shape_cast %swap3A_442 : vector<1x16xf32> to vector<16xf32>
        %swap3A_444 = vector.shape_cast %add3A_435 : vector<16xf32> to vector<1x16xf32>
        tpu.vector_store %swap3A_439[%swap3A_440, %swap3A_441], %swap3A_444 {strides = array<i32>} : memref<640x16xf32, #tpu.memory_space<vmem>>, vector<1x16xf32>,
        %add3A_445 = arith.constant 4 : i32
        %add3A_446 = arith.addi %mul3A_245, %add3A_445 : i32
        %get3A_447 = arith.constant 0 : i32
        %get3A_448 = arith.constant 0 : i32
        %get3A_449 = tpu.memref_slice %arg10[%rem3A_146, %get3A_447, %get3A_448] : memref<2x640x64xf32, #tpu.memory_space<vmem>> -> memref<1x640x64xf32, #tpu.memory_space<vmem>>
        %get3A_450 = tpu.memref_squeeze %get3A_449 : memref<1x640x64xf32, #tpu.memory_space<vmem>> -> memref<640x64xf32, #tpu.memory_space<vmem>>
        %get3A_451 = arith.index_cast %add3A_446 : i32 to index
        %get3A_452 = arith.constant 0 : index
        %get3A_453 = tpu.vector_load %get3A_450[%get3A_451, %get3A_452] {strides = array<i32>} : memref<640x64xf32, #tpu.memory_space<vmem>>, vector<1x16xf32>,
        %get3A_454 = vector.shape_cast %get3A_453 : vector<1x16xf32> to vector<16xf32>
        %mul3A_455 = arith.mulf %get3A_454, %get3A_219 : vector<16xf32>
        %get3A_456 = arith.constant 0 : i32
        %get3A_457 = arith.constant 0 : i32
        %get3A_458 = tpu.memref_slice %arg10[%rem3A_146, %get3A_456, %get3A_457] : memref<2x640x64xf32, #tpu.memory_space<vmem>> -> memref<1x640x64xf32, #tpu.memory_space<vmem>>
        %get3A_459 = tpu.memref_squeeze %get3A_458 : memref<1x640x64xf32, #tpu.memory_space<vmem>> -> memref<640x64xf32, #tpu.memory_space<vmem>>
        %get3A_460 = arith.index_cast %add3A_446 : i32 to index
        %get3A_461 = arith.constant 16 : index
        %get3A_462 = tpu.vector_load %get3A_459[%get3A_460, %get3A_461] {strides = array<i32>} : memref<640x64xf32, #tpu.memory_space<vmem>>, vector<1x16xf32>,
        %get3A_463 = vector.shape_cast %get3A_462 : vector<1x16xf32> to vector<16xf32>
        %mul3A_464 = arith.mulf %get3A_463, %get3A_227 : vector<16xf32>
        %add3A_465 = arith.addf %mul3A_455, %mul3A_464 : vector<16xf32>
        %get3A_466 = arith.constant 0 : i32
        %get3A_467 = arith.constant 0 : i32
        %get3A_468 = tpu.memref_slice %arg10[%rem3A_146, %get3A_466, %get3A_467] : memref<2x640x64xf32, #tpu.memory_space<vmem>> -> memref<1x640x64xf32, #tpu.memory_space<vmem>>
        %get3A_469 = tpu.memref_squeeze %get3A_468 : memref<1x640x64xf32, #tpu.memory_space<vmem>> -> memref<640x64xf32, #tpu.memory_space<vmem>>
        %get3A_470 = arith.index_cast %add3A_446 : i32 to index
        %get3A_471 = arith.constant 32 : index
        %get3A_472 = tpu.vector_load %get3A_469[%get3A_470, %get3A_471] {strides = array<i32>} : memref<640x64xf32, #tpu.memory_space<vmem>>, vector<1x16xf32>,
        %get3A_473 = vector.shape_cast %get3A_472 : vector<1x16xf32> to vector<16xf32>
        %mul3A_474 = arith.mulf %get3A_473, %get3A_235 : vector<16xf32>
        %add3A_475 = arith.addf %add3A_465, %mul3A_474 : vector<16xf32>
        %get3A_476 = arith.constant 0 : i32
        %get3A_477 = arith.constant 0 : i32
        %get3A_478 = tpu.memref_slice %arg10[%rem3A_146, %get3A_476, %get3A_477] : memref<2x640x64xf32, #tpu.memory_space<vmem>> -> memref<1x640x64xf32, #tpu.memory_space<vmem>>
        %get3A_479 = tpu.memref_squeeze %get3A_478 : memref<1x640x64xf32, #tpu.memory_space<vmem>> -> memref<640x64xf32, #tpu.memory_space<vmem>>
        %get3A_480 = arith.index_cast %add3A_446 : i32 to index
        %get3A_481 = arith.constant 48 : index
        %get3A_482 = tpu.vector_load %get3A_479[%get3A_480, %get3A_481] {strides = array<i32>} : memref<640x64xf32, #tpu.memory_space<vmem>>, vector<1x16xf32>,
        %get3A_483 = vector.shape_cast %get3A_482 : vector<1x16xf32> to vector<16xf32>
        %mul3A_484 = arith.mulf %get3A_483, %get3A_243 : vector<16xf32>
        %add3A_485 = arith.addf %add3A_475, %mul3A_484 : vector<16xf32>
        %swap3A_486 = arith.constant 0 : i32
        %swap3A_487 = arith.constant 0 : i32
        %swap3A_488 = tpu.memref_slice %arg11[%rem3A_146, %swap3A_486, %swap3A_487] : memref<2x640x16xf32, #tpu.memory_space<vmem>> -> memref<1x640x16xf32, #tpu.memory_space<vmem>>
        %swap3A_489 = tpu.memref_squeeze %swap3A_488 : memref<1x640x16xf32, #tpu.memory_space<vmem>> -> memref<640x16xf32, #tpu.memory_space<vmem>>
        %swap3A_490 = arith.index_cast %add3A_446 : i32 to index
        %swap3A_491 = arith.constant 0 : index
        %swap3A_492 = tpu.vector_load %swap3A_489[%swap3A_490, %swap3A_491] {strides = array<i32>} : memref<640x16xf32, #tpu.memory_space<vmem>>, vector<1x16xf32>,
        %swap3A_493 = vector.shape_cast %swap3A_492 : vector<1x16xf32> to vector<16xf32>
        %swap3A_494 = vector.shape_cast %add3A_485 : vector<16xf32> to vector<1x16xf32>
        tpu.vector_store %swap3A_489[%swap3A_490, %swap3A_491], %swap3A_494 {strides = array<i32>} : memref<640x16xf32, #tpu.memory_space<vmem>>, vector<1x16xf32>,
        %add3A_495 = arith.constant 5 : i32
        %add3A_496 = arith.addi %mul3A_245, %add3A_495 : i32
        %get3A_497 = arith.constant 0 : i32
        %get3A_498 = arith.constant 0 : i32
        %get3A_499 = tpu.memref_slice %arg10[%rem3A_146, %get3A_497, %get3A_498] : memref<2x640x64xf32, #tpu.memory_space<vmem>> -> memref<1x640x64xf32, #tpu.memory_space<vmem>>
        %get3A_500 = tpu.memref_squeeze %get3A_499 : memref<1x640x64xf32, #tpu.memory_space<vmem>> -> memref<640x64xf32, #tpu.memory_space<vmem>>
        %get3A_501 = arith.index_cast %add3A_496 : i32 to index
        %get3A_502 = arith.constant 0 : index
        %get3A_503 = tpu.vector_load %get3A_500[%get3A_501, %get3A_502] {strides = array<i32>} : memref<640x64xf32, #tpu.memory_space<vmem>>, vector<1x16xf32>,
        %get3A_504 = vector.shape_cast %get3A_503 : vector<1x16xf32> to vector<16xf32>
        %mul3A_505 = arith.mulf %get3A_504, %get3A_219 : vector<16xf32>
        %get3A_506 = arith.constant 0 : i32
        %get3A_507 = arith.constant 0 : i32
        %get3A_508 = tpu.memref_slice %arg10[%rem3A_146, %get3A_506, %get3A_507] : memref<2x640x64xf32, #tpu.memory_space<vmem>> -> memref<1x640x64xf32, #tpu.memory_space<vmem>>
        %get3A_509 = tpu.memref_squeeze %get3A_508 : memref<1x640x64xf32, #tpu.memory_space<vmem>> -> memref<640x64xf32, #tpu.memory_space<vmem>>
        %get3A_510 = arith.index_cast %add3A_496 : i32 to index
        %get3A_511 = arith.constant 16 : index
        %get3A_512 = tpu.vector_load %get3A_509[%get3A_510, %get3A_511] {strides = array<i32>} : memref<640x64xf32, #tpu.memory_space<vmem>>, vector<1x16xf32>,
        %get3A_513 = vector.shape_cast %get3A_512 : vector<1x16xf32> to vector<16xf32>
        %mul3A_514 = arith.mulf %get3A_513, %get3A_227 : vector<16xf32>
        %add3A_515 = arith.addf %mul3A_505, %mul3A_514 : vector<16xf32>
        %get3A_516 = arith.constant 0 : i32
        %get3A_517 = arith.constant 0 : i32
        %get3A_518 = tpu.memref_slice %arg10[%rem3A_146, %get3A_516, %get3A_517] : memref<2x640x64xf32, #tpu.memory_space<vmem>> -> memref<1x640x64xf32, #tpu.memory_space<vmem>>
        %get3A_519 = tpu.memref_squeeze %get3A_518 : memref<1x640x64xf32, #tpu.memory_space<vmem>> -> memref<640x64xf32, #tpu.memory_space<vmem>>
        %get3A_520 = arith.index_cast %add3A_496 : i32 to index
        %get3A_521 = arith.constant 32 : index
        %get3A_522 = tpu.vector_load %get3A_519[%get3A_520, %get3A_521] {strides = array<i32>} : memref<640x64xf32, #tpu.memory_space<vmem>>, vector<1x16xf32>,
        %get3A_523 = vector.shape_cast %get3A_522 : vector<1x16xf32> to vector<16xf32>
        %mul3A_524 = arith.mulf %get3A_523, %get3A_235 : vector<16xf32>
        %add3A_525 = arith.addf %add3A_515, %mul3A_524 : vector<16xf32>
        %get3A_526 = arith.constant 0 : i32
        %get3A_527 = arith.constant 0 : i32
        %get3A_528 = tpu.memref_slice %arg10[%rem3A_146, %get3A_526, %get3A_527] : memref<2x640x64xf32, #tpu.memory_space<vmem>> -> memref<1x640x64xf32, #tpu.memory_space<vmem>>
        %get3A_529 = tpu.memref_squeeze %get3A_528 : memref<1x640x64xf32, #tpu.memory_space<vmem>> -> memref<640x64xf32, #tpu.memory_space<vmem>>
        %get3A_530 = arith.index_cast %add3A_496 : i32 to index
        %get3A_531 = arith.constant 48 : index
        %get3A_532 = tpu.vector_load %get3A_529[%get3A_530, %get3A_531] {strides = array<i32>} : memref<640x64xf32, #tpu.memory_space<vmem>>, vector<1x16xf32>,
        %get3A_533 = vector.shape_cast %get3A_532 : vector<1x16xf32> to vector<16xf32>
        %mul3A_534 = arith.mulf %get3A_533, %get3A_243 : vector<16xf32>
        %add3A_535 = arith.addf %add3A_525, %mul3A_534 : vector<16xf32>
        %swap3A_536 = arith.constant 0 : i32
        %swap3A_537 = arith.constant 0 : i32
        %swap3A_538 = tpu.memref_slice %arg11[%rem3A_146, %swap3A_536, %swap3A_537] : memref<2x640x16xf32, #tpu.memory_space<vmem>> -> memref<1x640x16xf32, #tpu.memory_space<vmem>>
        %swap3A_539 = tpu.memref_squeeze %swap3A_538 : memref<1x640x16xf32, #tpu.memory_space<vmem>> -> memref<640x16xf32, #tpu.memory_space<vmem>>
        %swap3A_540 = arith.index_cast %add3A_496 : i32 to index
        %swap3A_541 = arith.constant 0 : index
        %swap3A_542 = tpu.vector_load %swap3A_539[%swap3A_540, %swap3A_541] {strides = array<i32>} : memref<640x16xf32, #tpu.memory_space<vmem>>, vector<1x16xf32>,
        %swap3A_543 = vector.shape_cast %swap3A_542 : vector<1x16xf32> to vector<16xf32>
        %swap3A_544 = vector.shape_cast %add3A_535 : vector<16xf32> to vector<1x16xf32>
        tpu.vector_store %swap3A_539[%swap3A_540, %swap3A_541], %swap3A_544 {strides = array<i32>} : memref<640x16xf32, #tpu.memory_space<vmem>>, vector<1x16xf32>,
        %add3A_545 = arith.constant 6 : i32
        %add3A_546 = arith.addi %mul3A_245, %add3A_545 : i32
        %get3A_547 = arith.constant 0 : i32
        %get3A_548 = arith.constant 0 : i32
        %get3A_549 = tpu.memref_slice %arg10[%rem3A_146, %get3A_547, %get3A_548] : memref<2x640x64xf32, #tpu.memory_space<vmem>> -> memref<1x640x64xf32, #tpu.memory_space<vmem>>
        %get3A_550 = tpu.memref_squeeze %get3A_549 : memref<1x640x64xf32, #tpu.memory_space<vmem>> -> memref<640x64xf32, #tpu.memory_space<vmem>>
        %get3A_551 = arith.index_cast %add3A_546 : i32 to index
        %get3A_552 = arith.constant 0 : index
        %get3A_553 = tpu.vector_load %get3A_550[%get3A_551, %get3A_552] {strides = array<i32>} : memref<640x64xf32, #tpu.memory_space<vmem>>, vector<1x16xf32>,
        %get3A_554 = vector.shape_cast %get3A_553 : vector<1x16xf32> to vector<16xf32>
        %mul3A_555 = arith.mulf %get3A_554, %get3A_219 : vector<16xf32>
        %get3A_556 = arith.constant 0 : i32
        %get3A_557 = arith.constant 0 : i32
        %get3A_558 = tpu.memref_slice %arg10[%rem3A_146, %get3A_556, %get3A_557] : memref<2x640x64xf32, #tpu.memory_space<vmem>> -> memref<1x640x64xf32, #tpu.memory_space<vmem>>
        %get3A_559 = tpu.memref_squeeze %get3A_558 : memref<1x640x64xf32, #tpu.memory_space<vmem>> -> memref<640x64xf32, #tpu.memory_space<vmem>>
        %get3A_560 = arith.index_cast %add3A_546 : i32 to index
        %get3A_561 = arith.constant 16 : index
        %get3A_562 = tpu.vector_load %get3A_559[%get3A_560, %get3A_561] {strides = array<i32>} : memref<640x64xf32, #tpu.memory_space<vmem>>, vector<1x16xf32>,
        %get3A_563 = vector.shape_cast %get3A_562 : vector<1x16xf32> to vector<16xf32>
        %mul3A_564 = arith.mulf %get3A_563, %get3A_227 : vector<16xf32>
        %add3A_565 = arith.addf %mul3A_555, %mul3A_564 : vector<16xf32>
        %get3A_566 = arith.constant 0 : i32
        %get3A_567 = arith.constant 0 : i32
        %get3A_568 = tpu.memref_slice %arg10[%rem3A_146, %get3A_566, %get3A_567] : memref<2x640x64xf32, #tpu.memory_space<vmem>> -> memref<1x640x64xf32, #tpu.memory_space<vmem>>
        %get3A_569 = tpu.memref_squeeze %get3A_568 : memref<1x640x64xf32, #tpu.memory_space<vmem>> -> memref<640x64xf32, #tpu.memory_space<vmem>>
        %get3A_570 = arith.index_cast %add3A_546 : i32 to index
        %get3A_571 = arith.constant 32 : index
        %get3A_572 = tpu.vector_load %get3A_569[%get3A_570, %get3A_571] {strides = array<i32>} : memref<640x64xf32, #tpu.memory_space<vmem>>, vector<1x16xf32>,
        %get3A_573 = vector.shape_cast %get3A_572 : vector<1x16xf32> to vector<16xf32>
        %mul3A_574 = arith.mulf %get3A_573, %get3A_235 : vector<16xf32>
        %add3A_575 = arith.addf %add3A_565, %mul3A_574 : vector<16xf32>
        %get3A_576 = arith.constant 0 : i32
        %get3A_577 = arith.constant 0 : i32
        %get3A_578 = tpu.memref_slice %arg10[%rem3A_146, %get3A_576, %get3A_577] : memref<2x640x64xf32, #tpu.memory_space<vmem>> -> memref<1x640x64xf32, #tpu.memory_space<vmem>>
        %get3A_579 = tpu.memref_squeeze %get3A_578 : memref<1x640x64xf32, #tpu.memory_space<vmem>> -> memref<640x64xf32, #tpu.memory_space<vmem>>
        %get3A_580 = arith.index_cast %add3A_546 : i32 to index
        %get3A_581 = arith.constant 48 : index
        %get3A_582 = tpu.vector_load %get3A_579[%get3A_580, %get3A_581] {strides = array<i32>} : memref<640x64xf32, #tpu.memory_space<vmem>>, vector<1x16xf32>,
        %get3A_583 = vector.shape_cast %get3A_582 : vector<1x16xf32> to vector<16xf32>
        %mul3A_584 = arith.mulf %get3A_583, %get3A_243 : vector<16xf32>
        %add3A_585 = arith.addf %add3A_575, %mul3A_584 : vector<16xf32>
        %swap3A_586 = arith.constant 0 : i32
        %swap3A_587 = arith.constant 0 : i32
        %swap3A_588 = tpu.memref_slice %arg11[%rem3A_146, %swap3A_586, %swap3A_587] : memref<2x640x16xf32, #tpu.memory_space<vmem>> -> memref<1x640x16xf32, #tpu.memory_space<vmem>>
        %swap3A_589 = tpu.memref_squeeze %swap3A_588 : memref<1x640x16xf32, #tpu.memory_space<vmem>> -> memref<640x16xf32, #tpu.memory_space<vmem>>
        %swap3A_590 = arith.index_cast %add3A_546 : i32 to index
        %swap3A_591 = arith.constant 0 : index
        %swap3A_592 = tpu.vector_load %swap3A_589[%swap3A_590, %swap3A_591] {strides = array<i32>} : memref<640x16xf32, #tpu.memory_space<vmem>>, vector<1x16xf32>,
        %swap3A_593 = vector.shape_cast %swap3A_592 : vector<1x16xf32> to vector<16xf32>
        %swap3A_594 = vector.shape_cast %add3A_585 : vector<16xf32> to vector<1x16xf32>
        tpu.vector_store %swap3A_589[%swap3A_590, %swap3A_591], %swap3A_594 {strides = array<i32>} : memref<640x16xf32, #tpu.memory_space<vmem>>, vector<1x16xf32>,
        %add3A_595 = arith.constant 7 : i32
        %add3A_596 = arith.addi %mul3A_245, %add3A_595 : i32
        %get3A_597 = arith.constant 0 : i32
        %get3A_598 = arith.constant 0 : i32
        %get3A_599 = tpu.memref_slice %arg10[%rem3A_146, %get3A_597, %get3A_598] : memref<2x640x64xf32, #tpu.memory_space<vmem>> -> memref<1x640x64xf32, #tpu.memory_space<vmem>>
        %get3A_600 = tpu.memref_squeeze %get3A_599 : memref<1x640x64xf32, #tpu.memory_space<vmem>> -> memref<640x64xf32, #tpu.memory_space<vmem>>
        %get3A_601 = arith.index_cast %add3A_596 : i32 to index
        %get3A_602 = arith.constant 0 : index
        %get3A_603 = tpu.vector_load %get3A_600[%get3A_601, %get3A_602] {strides = array<i32>} : memref<640x64xf32, #tpu.memory_space<vmem>>, vector<1x16xf32>,
        %get3A_604 = vector.shape_cast %get3A_603 : vector<1x16xf32> to vector<16xf32>
        %mul3A_605 = arith.mulf %get3A_604, %get3A_219 : vector<16xf32>
        %get3A_606 = arith.constant 0 : i32
        %get3A_607 = arith.constant 0 : i32
        %get3A_608 = tpu.memref_slice %arg10[%rem3A_146, %get3A_606, %get3A_607] : memref<2x640x64xf32, #tpu.memory_space<vmem>> -> memref<1x640x64xf32, #tpu.memory_space<vmem>>
        %get3A_609 = tpu.memref_squeeze %get3A_608 : memref<1x640x64xf32, #tpu.memory_space<vmem>> -> memref<640x64xf32, #tpu.memory_space<vmem>>
        %get3A_610 = arith.index_cast %add3A_596 : i32 to index
        %get3A_611 = arith.constant 16 : index
        %get3A_612 = tpu.vector_load %get3A_609[%get3A_610, %get3A_611] {strides = array<i32>} : memref<640x64xf32, #tpu.memory_space<vmem>>, vector<1x16xf32>,
        %get3A_613 = vector.shape_cast %get3A_612 : vector<1x16xf32> to vector<16xf32>
        %mul3A_614 = arith.mulf %get3A_613, %get3A_227 : vector<16xf32>
        %add3A_615 = arith.addf %mul3A_605, %mul3A_614 : vector<16xf32>
        %get3A_616 = arith.constant 0 : i32
        %get3A_617 = arith.constant 0 : i32
        %get3A_618 = tpu.memref_slice %arg10[%rem3A_146, %get3A_616, %get3A_617] : memref<2x640x64xf32, #tpu.memory_space<vmem>> -> memref<1x640x64xf32, #tpu.memory_space<vmem>>
        %get3A_619 = tpu.memref_squeeze %get3A_618 : memref<1x640x64xf32, #tpu.memory_space<vmem>> -> memref<640x64xf32, #tpu.memory_space<vmem>>
        %get3A_620 = arith.index_cast %add3A_596 : i32 to index
        %get3A_621 = arith.constant 32 : index
        %get3A_622 = tpu.vector_load %get3A_619[%get3A_620, %get3A_621] {strides = array<i32>} : memref<640x64xf32, #tpu.memory_space<vmem>>, vector<1x16xf32>,
        %get3A_623 = vector.shape_cast %get3A_622 : vector<1x16xf32> to vector<16xf32>
        %mul3A_624 = arith.mulf %get3A_623, %get3A_235 : vector<16xf32>
        %add3A_625 = arith.addf %add3A_615, %mul3A_624 : vector<16xf32>
        %get3A_626 = arith.constant 0 : i32
        %get3A_627 = arith.constant 0 : i32
        %get3A_628 = tpu.memref_slice %arg10[%rem3A_146, %get3A_626, %get3A_627] : memref<2x640x64xf32, #tpu.memory_space<vmem>> -> memref<1x640x64xf32, #tpu.memory_space<vmem>>
        %get3A_629 = tpu.memref_squeeze %get3A_628 : memref<1x640x64xf32, #tpu.memory_space<vmem>> -> memref<640x64xf32, #tpu.memory_space<vmem>>
        %get3A_630 = arith.index_cast %add3A_596 : i32 to index
        %get3A_631 = arith.constant 48 : index
        %get3A_632 = tpu.vector_load %get3A_629[%get3A_630, %get3A_631] {strides = array<i32>} : memref<640x64xf32, #tpu.memory_space<vmem>>, vector<1x16xf32>,
        %get3A_633 = vector.shape_cast %get3A_632 : vector<1x16xf32> to vector<16xf32>
        %mul3A_634 = arith.mulf %get3A_633, %get3A_243 : vector<16xf32>
        %add3A_635 = arith.addf %add3A_625, %mul3A_634 : vector<16xf32>
        %swap3A_636 = arith.constant 0 : i32
        %swap3A_637 = arith.constant 0 : i32
        %swap3A_638 = tpu.memref_slice %arg11[%rem3A_146, %swap3A_636, %swap3A_637] : memref<2x640x16xf32, #tpu.memory_space<vmem>> -> memref<1x640x16xf32, #tpu.memory_space<vmem>>
        %swap3A_639 = tpu.memref_squeeze %swap3A_638 : memref<1x640x16xf32, #tpu.memory_space<vmem>> -> memref<640x16xf32, #tpu.memory_space<vmem>>
        %swap3A_640 = arith.index_cast %add3A_596 : i32 to index
        %swap3A_641 = arith.constant 0 : index
        %swap3A_642 = tpu.vector_load %swap3A_639[%swap3A_640, %swap3A_641] {strides = array<i32>} : memref<640x16xf32, #tpu.memory_space<vmem>>, vector<1x16xf32>,
        %swap3A_643 = vector.shape_cast %swap3A_642 : vector<1x16xf32> to vector<16xf32>
        %swap3A_644 = vector.shape_cast %add3A_635 : vector<16xf32> to vector<1x16xf32>
        tpu.vector_store %swap3A_639[%swap3A_640, %swap3A_641], %swap3A_644 {strides = array<i32>} : memref<640x16xf32, #tpu.memory_space<vmem>>, vector<1x16xf32>,
        %add3A_645 = arith.constant 8 : i32
        %add3A_646 = arith.addi %mul3A_245, %add3A_645 : i32
        %get3A_647 = arith.constant 0 : i32
        %get3A_648 = arith.constant 0 : i32
        %get3A_649 = tpu.memref_slice %arg10[%rem3A_146, %get3A_647, %get3A_648] : memref<2x640x64xf32, #tpu.memory_space<vmem>> -> memref<1x640x64xf32, #tpu.memory_space<vmem>>
        %get3A_650 = tpu.memref_squeeze %get3A_649 : memref<1x640x64xf32, #tpu.memory_space<vmem>> -> memref<640x64xf32, #tpu.memory_space<vmem>>
        %get3A_651 = arith.index_cast %add3A_646 : i32 to index
        %get3A_652 = arith.constant 0 : index
        %get3A_653 = tpu.vector_load %get3A_650[%get3A_651, %get3A_652] {strides = array<i32>} : memref<640x64xf32, #tpu.memory_space<vmem>>, vector<1x16xf32>,
        %get3A_654 = vector.shape_cast %get3A_653 : vector<1x16xf32> to vector<16xf32>
        %mul3A_655 = arith.mulf %get3A_654, %get3A_219 : vector<16xf32>
        %get3A_656 = arith.constant 0 : i32
        %get3A_657 = arith.constant 0 : i32
        %get3A_658 = tpu.memref_slice %arg10[%rem3A_146, %get3A_656, %get3A_657] : memref<2x640x64xf32, #tpu.memory_space<vmem>> -> memref<1x640x64xf32, #tpu.memory_space<vmem>>
        %get3A_659 = tpu.memref_squeeze %get3A_658 : memref<1x640x64xf32, #tpu.memory_space<vmem>> -> memref<640x64xf32, #tpu.memory_space<vmem>>
        %get3A_660 = arith.index_cast %add3A_646 : i32 to index
        %get3A_661 = arith.constant 16 : index
        %get3A_662 = tpu.vector_load %get3A_659[%get3A_660, %get3A_661] {strides = array<i32>} : memref<640x64xf32, #tpu.memory_space<vmem>>, vector<1x16xf32>,
        %get3A_663 = vector.shape_cast %get3A_662 : vector<1x16xf32> to vector<16xf32>
        %mul3A_664 = arith.mulf %get3A_663, %get3A_227 : vector<16xf32>
        %add3A_665 = arith.addf %mul3A_655, %mul3A_664 : vector<16xf32>
        %get3A_666 = arith.constant 0 : i32
        %get3A_667 = arith.constant 0 : i32
        %get3A_668 = tpu.memref_slice %arg10[%rem3A_146, %get3A_666, %get3A_667] : memref<2x640x64xf32, #tpu.memory_space<vmem>> -> memref<1x640x64xf32, #tpu.memory_space<vmem>>
        %get3A_669 = tpu.memref_squeeze %get3A_668 : memref<1x640x64xf32, #tpu.memory_space<vmem>> -> memref<640x64xf32, #tpu.memory_space<vmem>>
        %get3A_670 = arith.index_cast %add3A_646 : i32 to index
        %get3A_671 = arith.constant 32 : index
        %get3A_672 = tpu.vector_load %get3A_669[%get3A_670, %get3A_671] {strides = array<i32>} : memref<640x64xf32, #tpu.memory_space<vmem>>, vector<1x16xf32>,
        %get3A_673 = vector.shape_cast %get3A_672 : vector<1x16xf32> to vector<16xf32>
        %mul3A_674 = arith.mulf %get3A_673, %get3A_235 : vector<16xf32>
        %add3A_675 = arith.addf %add3A_665, %mul3A_674 : vector<16xf32>
        %get3A_676 = arith.constant 0 : i32
        %get3A_677 = arith.constant 0 : i32
        %get3A_678 = tpu.memref_slice %arg10[%rem3A_146, %get3A_676, %get3A_677] : memref<2x640x64xf32, #tpu.memory_space<vmem>> -> memref<1x640x64xf32, #tpu.memory_space<vmem>>
        %get3A_679 = tpu.memref_squeeze %get3A_678 : memref<1x640x64xf32, #tpu.memory_space<vmem>> -> memref<640x64xf32, #tpu.memory_space<vmem>>
        %get3A_680 = arith.index_cast %add3A_646 : i32 to index
        %get3A_681 = arith.constant 48 : index
        %get3A_682 = tpu.vector_load %get3A_679[%get3A_680, %get3A_681] {strides = array<i32>} : memref<640x64xf32, #tpu.memory_space<vmem>>, vector<1x16xf32>,
        %get3A_683 = vector.shape_cast %get3A_682 : vector<1x16xf32> to vector<16xf32>
        %mul3A_684 = arith.mulf %get3A_683, %get3A_243 : vector<16xf32>
        %add3A_685 = arith.addf %add3A_675, %mul3A_684 : vector<16xf32>
        %swap3A_686 = arith.constant 0 : i32
        %swap3A_687 = arith.constant 0 : i32
        %swap3A_688 = tpu.memref_slice %arg11[%rem3A_146, %swap3A_686, %swap3A_687] : memref<2x640x16xf32, #tpu.memory_space<vmem>> -> memref<1x640x16xf32, #tpu.memory_space<vmem>>
        %swap3A_689 = tpu.memref_squeeze %swap3A_688 : memref<1x640x16xf32, #tpu.memory_space<vmem>> -> memref<640x16xf32, #tpu.memory_space<vmem>>
        %swap3A_690 = arith.index_cast %add3A_646 : i32 to index
        %swap3A_691 = arith.constant 0 : index
        %swap3A_692 = tpu.vector_load %swap3A_689[%swap3A_690, %swap3A_691] {strides = array<i32>} : memref<640x16xf32, #tpu.memory_space<vmem>>, vector<1x16xf32>,
        %swap3A_693 = vector.shape_cast %swap3A_692 : vector<1x16xf32> to vector<16xf32>
        %swap3A_694 = vector.shape_cast %add3A_685 : vector<16xf32> to vector<1x16xf32>
        tpu.vector_store %swap3A_689[%swap3A_690, %swap3A_691], %swap3A_694 {strides = array<i32>} : memref<640x16xf32, #tpu.memory_space<vmem>>, vector<1x16xf32>,
        %add3A_695 = arith.constant 9 : i32
        %add3A_696 = arith.addi %mul3A_245, %add3A_695 : i32
        %get3A_697 = arith.constant 0 : i32
        %get3A_698 = arith.constant 0 : i32
        %get3A_699 = tpu.memref_slice %arg10[%rem3A_146, %get3A_697, %get3A_698] : memref<2x640x64xf32, #tpu.memory_space<vmem>> -> memref<1x640x64xf32, #tpu.memory_space<vmem>>
        %get3A_700 = tpu.memref_squeeze %get3A_699 : memref<1x640x64xf32, #tpu.memory_space<vmem>> -> memref<640x64xf32, #tpu.memory_space<vmem>>
        %get3A_701 = arith.index_cast %add3A_696 : i32 to index
        %get3A_702 = arith.constant 0 : index
        %get3A_703 = tpu.vector_load %get3A_700[%get3A_701, %get3A_702] {strides = array<i32>} : memref<640x64xf32, #tpu.memory_space<vmem>>, vector<1x16xf32>,
        %get3A_704 = vector.shape_cast %get3A_703 : vector<1x16xf32> to vector<16xf32>
        %mul3A_705 = arith.mulf %get3A_704, %get3A_219 : vector<16xf32>
        %get3A_706 = arith.constant 0 : i32
        %get3A_707 = arith.constant 0 : i32
        %get3A_708 = tpu.memref_slice %arg10[%rem3A_146, %get3A_706, %get3A_707] : memref<2x640x64xf32, #tpu.memory_space<vmem>> -> memref<1x640x64xf32, #tpu.memory_space<vmem>>
        %get3A_709 = tpu.memref_squeeze %get3A_708 : memref<1x640x64xf32, #tpu.memory_space<vmem>> -> memref<640x64xf32, #tpu.memory_space<vmem>>
        %get3A_710 = arith.index_cast %add3A_696 : i32 to index
        %get3A_711 = arith.constant 16 : index
        %get3A_712 = tpu.vector_load %get3A_709[%get3A_710, %get3A_711] {strides = array<i32>} : memref<640x64xf32, #tpu.memory_space<vmem>>, vector<1x16xf32>,
        %get3A_713 = vector.shape_cast %get3A_712 : vector<1x16xf32> to vector<16xf32>
        %mul3A_714 = arith.mulf %get3A_713, %get3A_227 : vector<16xf32>
        %add3A_715 = arith.addf %mul3A_705, %mul3A_714 : vector<16xf32>
        %get3A_716 = arith.constant 0 : i32
        %get3A_717 = arith.constant 0 : i32
        %get3A_718 = tpu.memref_slice %arg10[%rem3A_146, %get3A_716, %get3A_717] : memref<2x640x64xf32, #tpu.memory_space<vmem>> -> memref<1x640x64xf32, #tpu.memory_space<vmem>>
        %get3A_719 = tpu.memref_squeeze %get3A_718 : memref<1x640x64xf32, #tpu.memory_space<vmem>> -> memref<640x64xf32, #tpu.memory_space<vmem>>
        %get3A_720 = arith.index_cast %add3A_696 : i32 to index
        %get3A_721 = arith.constant 32 : index
        %get3A_722 = tpu.vector_load %get3A_719[%get3A_720, %get3A_721] {strides = array<i32>} : memref<640x64xf32, #tpu.memory_space<vmem>>, vector<1x16xf32>,
        %get3A_723 = vector.shape_cast %get3A_722 : vector<1x16xf32> to vector<16xf32>
        %mul3A_724 = arith.mulf %get3A_723, %get3A_235 : vector<16xf32>
        %add3A_725 = arith.addf %add3A_715, %mul3A_724 : vector<16xf32>
        %get3A_726 = arith.constant 0 : i32
        %get3A_727 = arith.constant 0 : i32
        %get3A_728 = tpu.memref_slice %arg10[%rem3A_146, %get3A_726, %get3A_727] : memref<2x640x64xf32, #tpu.memory_space<vmem>> -> memref<1x640x64xf32, #tpu.memory_space<vmem>>
        %get3A_729 = tpu.memref_squeeze %get3A_728 : memref<1x640x64xf32, #tpu.memory_space<vmem>> -> memref<640x64xf32, #tpu.memory_space<vmem>>
        %get3A_730 = arith.index_cast %add3A_696 : i32 to index
        %get3A_731 = arith.constant 48 : index
        %get3A_732 = tpu.vector_load %get3A_729[%get3A_730, %get3A_731] {strides = array<i32>} : memref<640x64xf32, #tpu.memory_space<vmem>>, vector<1x16xf32>,
        %get3A_733 = vector.shape_cast %get3A_732 : vector<1x16xf32> to vector<16xf32>
        %mul3A_734 = arith.mulf %get3A_733, %get3A_243 : vector<16xf32>
        %add3A_735 = arith.addf %add3A_725, %mul3A_734 : vector<16xf32>
        %swap3A_736 = arith.constant 0 : i32
        %swap3A_737 = arith.constant 0 : i32
        %swap3A_738 = tpu.memref_slice %arg11[%rem3A_146, %swap3A_736, %swap3A_737] : memref<2x640x16xf32, #tpu.memory_space<vmem>> -> memref<1x640x16xf32, #tpu.memory_space<vmem>>
        %swap3A_739 = tpu.memref_squeeze %swap3A_738 : memref<1x640x16xf32, #tpu.memory_space<vmem>> -> memref<640x16xf32, #tpu.memory_space<vmem>>
        %swap3A_740 = arith.index_cast %add3A_696 : i32 to index
        %swap3A_741 = arith.constant 0 : index
        %swap3A_742 = tpu.vector_load %swap3A_739[%swap3A_740, %swap3A_741] {strides = array<i32>} : memref<640x16xf32, #tpu.memory_space<vmem>>, vector<1x16xf32>,
        %swap3A_743 = vector.shape_cast %swap3A_742 : vector<1x16xf32> to vector<16xf32>
        %swap3A_744 = vector.shape_cast %add3A_735 : vector<16xf32> to vector<1x16xf32>
        tpu.vector_store %swap3A_739[%swap3A_740, %swap3A_741], %swap3A_744 {strides = array<i32>} : memref<640x16xf32, #tpu.memory_space<vmem>>, vector<1x16xf32>,
        %add3A_745 = arith.constant 10 : i32
        %add3A_746 = arith.addi %mul3A_245, %add3A_745 : i32
        %get3A_747 = arith.constant 0 : i32
        %get3A_748 = arith.constant 0 : i32
        %get3A_749 = tpu.memref_slice %arg10[%rem3A_146, %get3A_747, %get3A_748] : memref<2x640x64xf32, #tpu.memory_space<vmem>> -> memref<1x640x64xf32, #tpu.memory_space<vmem>>
        %get3A_750 = tpu.memref_squeeze %get3A_749 : memref<1x640x64xf32, #tpu.memory_space<vmem>> -> memref<640x64xf32, #tpu.memory_space<vmem>>
        %get3A_751 = arith.index_cast %add3A_746 : i32 to index
        %get3A_752 = arith.constant 0 : index
        %get3A_753 = tpu.vector_load %get3A_750[%get3A_751, %get3A_752] {strides = array<i32>} : memref<640x64xf32, #tpu.memory_space<vmem>>, vector<1x16xf32>,
        %get3A_754 = vector.shape_cast %get3A_753 : vector<1x16xf32> to vector<16xf32>
        %mul3A_755 = arith.mulf %get3A_754, %get3A_219 : vector<16xf32>
        %get3A_756 = arith.constant 0 : i32
        %get3A_757 = arith.constant 0 : i32
        %get3A_758 = tpu.memref_slice %arg10[%rem3A_146, %get3A_756, %get3A_757] : memref<2x640x64xf32, #tpu.memory_space<vmem>> -> memref<1x640x64xf32, #tpu.memory_space<vmem>>
        %get3A_759 = tpu.memref_squeeze %get3A_758 : memref<1x640x64xf32, #tpu.memory_space<vmem>> -> memref<640x64xf32, #tpu.memory_space<vmem>>
        %get3A_760 = arith.index_cast %add3A_746 : i32 to index
        %get3A_761 = arith.constant 16 : index
        %get3A_762 = tpu.vector_load %get3A_759[%get3A_760, %get3A_761] {strides = array<i32>} : memref<640x64xf32, #tpu.memory_space<vmem>>, vector<1x16xf32>,
        %get3A_763 = vector.shape_cast %get3A_762 : vector<1x16xf32> to vector<16xf32>
        %mul3A_764 = arith.mulf %get3A_763, %get3A_227 : vector<16xf32>
        %add3A_765 = arith.addf %mul3A_755, %mul3A_764 : vector<16xf32>
        %get3A_766 = arith.constant 0 : i32
        %get3A_767 = arith.constant 0 : i32
        %get3A_768 = tpu.memref_slice %arg10[%rem3A_146, %get3A_766, %get3A_767] : memref<2x640x64xf32, #tpu.memory_space<vmem>> -> memref<1x640x64xf32, #tpu.memory_space<vmem>>
        %get3A_769 = tpu.memref_squeeze %get3A_768 : memref<1x640x64xf32, #tpu.memory_space<vmem>> -> memref<640x64xf32, #tpu.memory_space<vmem>>
        %get3A_770 = arith.index_cast %add3A_746 : i32 to index
        %get3A_771 = arith.constant 32 : index
        %get3A_772 = tpu.vector_load %get3A_769[%get3A_770, %get3A_771] {strides = array<i32>} : memref<640x64xf32, #tpu.memory_space<vmem>>, vector<1x16xf32>,
        %get3A_773 = vector.shape_cast %get3A_772 : vector<1x16xf32> to vector<16xf32>
        %mul3A_774 = arith.mulf %get3A_773, %get3A_235 : vector<16xf32>
        %add3A_775 = arith.addf %add3A_765, %mul3A_774 : vector<16xf32>
        %get3A_776 = arith.constant 0 : i32
        %get3A_777 = arith.constant 0 : i32
        %get3A_778 = tpu.memref_slice %arg10[%rem3A_146, %get3A_776, %get3A_777] : memref<2x640x64xf32, #tpu.memory_space<vmem>> -> memref<1x640x64xf32, #tpu.memory_space<vmem>>
        %get3A_779 = tpu.memref_squeeze %get3A_778 : memref<1x640x64xf32, #tpu.memory_space<vmem>> -> memref<640x64xf32, #tpu.memory_space<vmem>>
        %get3A_780 = arith.index_cast %add3A_746 : i32 to index
        %get3A_781 = arith.constant 48 : index
        %get3A_782 = tpu.vector_load %get3A_779[%get3A_780, %get3A_781] {strides = array<i32>} : memref<640x64xf32, #tpu.memory_space<vmem>>, vector<1x16xf32>,
        %get3A_783 = vector.shape_cast %get3A_782 : vector<1x16xf32> to vector<16xf32>
        %mul3A_784 = arith.mulf %get3A_783, %get3A_243 : vector<16xf32>
        %add3A_785 = arith.addf %add3A_775, %mul3A_784 : vector<16xf32>
        %swap3A_786 = arith.constant 0 : i32
        %swap3A_787 = arith.constant 0 : i32
        %swap3A_788 = tpu.memref_slice %arg11[%rem3A_146, %swap3A_786, %swap3A_787] : memref<2x640x16xf32, #tpu.memory_space<vmem>> -> memref<1x640x16xf32, #tpu.memory_space<vmem>>
        %swap3A_789 = tpu.memref_squeeze %swap3A_788 : memref<1x640x16xf32, #tpu.memory_space<vmem>> -> memref<640x16xf32, #tpu.memory_space<vmem>>
        %swap3A_790 = arith.index_cast %add3A_746 : i32 to index
        %swap3A_791 = arith.constant 0 : index
        %swap3A_792 = tpu.vector_load %swap3A_789[%swap3A_790, %swap3A_791] {strides = array<i32>} : memref<640x16xf32, #tpu.memory_space<vmem>>, vector<1x16xf32>,
        %swap3A_793 = vector.shape_cast %swap3A_792 : vector<1x16xf32> to vector<16xf32>
        %swap3A_794 = vector.shape_cast %add3A_785 : vector<16xf32> to vector<1x16xf32>
        tpu.vector_store %swap3A_789[%swap3A_790, %swap3A_791], %swap3A_794 {strides = array<i32>} : memref<640x16xf32, #tpu.memory_space<vmem>>, vector<1x16xf32>,
        %add3A_795 = arith.constant 11 : i32
        %add3A_796 = arith.addi %mul3A_245, %add3A_795 : i32
        %get3A_797 = arith.constant 0 : i32
        %get3A_798 = arith.constant 0 : i32
        %get3A_799 = tpu.memref_slice %arg10[%rem3A_146, %get3A_797, %get3A_798] : memref<2x640x64xf32, #tpu.memory_space<vmem>> -> memref<1x640x64xf32, #tpu.memory_space<vmem>>
        %get3A_800 = tpu.memref_squeeze %get3A_799 : memref<1x640x64xf32, #tpu.memory_space<vmem>> -> memref<640x64xf32, #tpu.memory_space<vmem>>
        %get3A_801 = arith.index_cast %add3A_796 : i32 to index
        %get3A_802 = arith.constant 0 : index
        %get3A_803 = tpu.vector_load %get3A_800[%get3A_801, %get3A_802] {strides = array<i32>} : memref<640x64xf32, #tpu.memory_space<vmem>>, vector<1x16xf32>,
        %get3A_804 = vector.shape_cast %get3A_803 : vector<1x16xf32> to vector<16xf32>
        %mul3A_805 = arith.mulf %get3A_804, %get3A_219 : vector<16xf32>
        %get3A_806 = arith.constant 0 : i32
        %get3A_807 = arith.constant 0 : i32
        %get3A_808 = tpu.memref_slice %arg10[%rem3A_146, %get3A_806, %get3A_807] : memref<2x640x64xf32, #tpu.memory_space<vmem>> -> memref<1x640x64xf32, #tpu.memory_space<vmem>>
        %get3A_809 = tpu.memref_squeeze %get3A_808 : memref<1x640x64xf32, #tpu.memory_space<vmem>> -> memref<640x64xf32, #tpu.memory_space<vmem>>
        %get3A_810 = arith.index_cast %add3A_796 : i32 to index
        %get3A_811 = arith.constant 16 : index
        %get3A_812 = tpu.vector_load %get3A_809[%get3A_810, %get3A_811] {strides = array<i32>} : memref<640x64xf32, #tpu.memory_space<vmem>>, vector<1x16xf32>,
        %get3A_813 = vector.shape_cast %get3A_812 : vector<1x16xf32> to vector<16xf32>
        %mul3A_814 = arith.mulf %get3A_813, %get3A_227 : vector<16xf32>
        %add3A_815 = arith.addf %mul3A_805, %mul3A_814 : vector<16xf32>
        %get3A_816 = arith.constant 0 : i32
        %get3A_817 = arith.constant 0 : i32
        %get3A_818 = tpu.memref_slice %arg10[%rem3A_146, %get3A_816, %get3A_817] : memref<2x640x64xf32, #tpu.memory_space<vmem>> -> memref<1x640x64xf32, #tpu.memory_space<vmem>>
        %get3A_819 = tpu.memref_squeeze %get3A_818 : memref<1x640x64xf32, #tpu.memory_space<vmem>> -> memref<640x64xf32, #tpu.memory_space<vmem>>
        %get3A_820 = arith.index_cast %add3A_796 : i32 to index
        %get3A_821 = arith.constant 32 : index
        %get3A_822 = tpu.vector_load %get3A_819[%get3A_820, %get3A_821] {strides = array<i32>} : memref<640x64xf32, #tpu.memory_space<vmem>>, vector<1x16xf32>,
        %get3A_823 = vector.shape_cast %get3A_822 : vector<1x16xf32> to vector<16xf32>
        %mul3A_824 = arith.mulf %get3A_823, %get3A_235 : vector<16xf32>
        %add3A_825 = arith.addf %add3A_815, %mul3A_824 : vector<16xf32>
        %get3A_826 = arith.constant 0 : i32
        %get3A_827 = arith.constant 0 : i32
        %get3A_828 = tpu.memref_slice %arg10[%rem3A_146, %get3A_826, %get3A_827] : memref<2x640x64xf32, #tpu.memory_space<vmem>> -> memref<1x640x64xf32, #tpu.memory_space<vmem>>
        %get3A_829 = tpu.memref_squeeze %get3A_828 : memref<1x640x64xf32, #tpu.memory_space<vmem>> -> memref<640x64xf32, #tpu.memory_space<vmem>>
        %get3A_830 = arith.index_cast %add3A_796 : i32 to index
        %get3A_831 = arith.constant 48 : index
        %get3A_832 = tpu.vector_load %get3A_829[%get3A_830, %get3A_831] {strides = array<i32>} : memref<640x64xf32, #tpu.memory_space<vmem>>, vector<1x16xf32>,
        %get3A_833 = vector.shape_cast %get3A_832 : vector<1x16xf32> to vector<16xf32>
        %mul3A_834 = arith.mulf %get3A_833, %get3A_243 : vector<16xf32>
        %add3A_835 = arith.addf %add3A_825, %mul3A_834 : vector<16xf32>
        %swap3A_836 = arith.constant 0 : i32
        %swap3A_837 = arith.constant 0 : i32
        %swap3A_838 = tpu.memref_slice %arg11[%rem3A_146, %swap3A_836, %swap3A_837] : memref<2x640x16xf32, #tpu.memory_space<vmem>> -> memref<1x640x16xf32, #tpu.memory_space<vmem>>
        %swap3A_839 = tpu.memref_squeeze %swap3A_838 : memref<1x640x16xf32, #tpu.memory_space<vmem>> -> memref<640x16xf32, #tpu.memory_space<vmem>>
        %swap3A_840 = arith.index_cast %add3A_796 : i32 to index
        %swap3A_841 = arith.constant 0 : index
        %swap3A_842 = tpu.vector_load %swap3A_839[%swap3A_840, %swap3A_841] {strides = array<i32>} : memref<640x16xf32, #tpu.memory_space<vmem>>, vector<1x16xf32>,
        %swap3A_843 = vector.shape_cast %swap3A_842 : vector<1x16xf32> to vector<16xf32>
        %swap3A_844 = vector.shape_cast %add3A_835 : vector<16xf32> to vector<1x16xf32>
        tpu.vector_store %swap3A_839[%swap3A_840, %swap3A_841], %swap3A_844 {strides = array<i32>} : memref<640x16xf32, #tpu.memory_space<vmem>>, vector<1x16xf32>,
        %add3A_845 = arith.constant 12 : i32
        %add3A_846 = arith.addi %mul3A_245, %add3A_845 : i32
        %get3A_847 = arith.constant 0 : i32
        %get3A_848 = arith.constant 0 : i32
        %get3A_849 = tpu.memref_slice %arg10[%rem3A_146, %get3A_847, %get3A_848] : memref<2x640x64xf32, #tpu.memory_space<vmem>> -> memref<1x640x64xf32, #tpu.memory_space<vmem>>
        %get3A_850 = tpu.memref_squeeze %get3A_849 : memref<1x640x64xf32, #tpu.memory_space<vmem>> -> memref<640x64xf32, #tpu.memory_space<vmem>>
        %get3A_851 = arith.index_cast %add3A_846 : i32 to index
        %get3A_852 = arith.constant 0 : index
        %get3A_853 = tpu.vector_load %get3A_850[%get3A_851, %get3A_852] {strides = array<i32>} : memref<640x64xf32, #tpu.memory_space<vmem>>, vector<1x16xf32>,
        %get3A_854 = vector.shape_cast %get3A_853 : vector<1x16xf32> to vector<16xf32>
        %mul3A_855 = arith.mulf %get3A_854, %get3A_219 : vector<16xf32>
        %get3A_856 = arith.constant 0 : i32
        %get3A_857 = arith.constant 0 : i32
        %get3A_858 = tpu.memref_slice %arg10[%rem3A_146, %get3A_856, %get3A_857] : memref<2x640x64xf32, #tpu.memory_space<vmem>> -> memref<1x640x64xf32, #tpu.memory_space<vmem>>
        %get3A_859 = tpu.memref_squeeze %get3A_858 : memref<1x640x64xf32, #tpu.memory_space<vmem>> -> memref<640x64xf32, #tpu.memory_space<vmem>>
        %get3A_860 = arith.index_cast %add3A_846 : i32 to index
        %get3A_861 = arith.constant 16 : index
        %get3A_862 = tpu.vector_load %get3A_859[%get3A_860, %get3A_861] {strides = array<i32>} : memref<640x64xf32, #tpu.memory_space<vmem>>, vector<1x16xf32>,
        %get3A_863 = vector.shape_cast %get3A_862 : vector<1x16xf32> to vector<16xf32>
        %mul3A_864 = arith.mulf %get3A_863, %get3A_227 : vector<16xf32>
        %add3A_865 = arith.addf %mul3A_855, %mul3A_864 : vector<16xf32>
        %get3A_866 = arith.constant 0 : i32
        %get3A_867 = arith.constant 0 : i32
        %get3A_868 = tpu.memref_slice %arg10[%rem3A_146, %get3A_866, %get3A_867] : memref<2x640x64xf32, #tpu.memory_space<vmem>> -> memref<1x640x64xf32, #tpu.memory_space<vmem>>
        %get3A_869 = tpu.memref_squeeze %get3A_868 : memref<1x640x64xf32, #tpu.memory_space<vmem>> -> memref<640x64xf32, #tpu.memory_space<vmem>>
        %get3A_870 = arith.index_cast %add3A_846 : i32 to index
        %get3A_871 = arith.constant 32 : index
        %get3A_872 = tpu.vector_load %get3A_869[%get3A_870, %get3A_871] {strides = array<i32>} : memref<640x64xf32, #tpu.memory_space<vmem>>, vector<1x16xf32>,
        %get3A_873 = vector.shape_cast %get3A_872 : vector<1x16xf32> to vector<16xf32>
        %mul3A_874 = arith.mulf %get3A_873, %get3A_235 : vector<16xf32>
        %add3A_875 = arith.addf %add3A_865, %mul3A_874 : vector<16xf32>
        %get3A_876 = arith.constant 0 : i32
        %get3A_877 = arith.constant 0 : i32
        %get3A_878 = tpu.memref_slice %arg10[%rem3A_146, %get3A_876, %get3A_877] : memref<2x640x64xf32, #tpu.memory_space<vmem>> -> memref<1x640x64xf32, #tpu.memory_space<vmem>>
        %get3A_879 = tpu.memref_squeeze %get3A_878 : memref<1x640x64xf32, #tpu.memory_space<vmem>> -> memref<640x64xf32, #tpu.memory_space<vmem>>
        %get3A_880 = arith.index_cast %add3A_846 : i32 to index
        %get3A_881 = arith.constant 48 : index
        %get3A_882 = tpu.vector_load %get3A_879[%get3A_880, %get3A_881] {strides = array<i32>} : memref<640x64xf32, #tpu.memory_space<vmem>>, vector<1x16xf32>,
        %get3A_883 = vector.shape_cast %get3A_882 : vector<1x16xf32> to vector<16xf32>
        %mul3A_884 = arith.mulf %get3A_883, %get3A_243 : vector<16xf32>
        %add3A_885 = arith.addf %add3A_875, %mul3A_884 : vector<16xf32>
        %swap3A_886 = arith.constant 0 : i32
        %swap3A_887 = arith.constant 0 : i32
        %swap3A_888 = tpu.memref_slice %arg11[%rem3A_146, %swap3A_886, %swap3A_887] : memref<2x640x16xf32, #tpu.memory_space<vmem>> -> memref<1x640x16xf32, #tpu.memory_space<vmem>>
        %swap3A_889 = tpu.memref_squeeze %swap3A_888 : memref<1x640x16xf32, #tpu.memory_space<vmem>> -> memref<640x16xf32, #tpu.memory_space<vmem>>
        %swap3A_890 = arith.index_cast %add3A_846 : i32 to index
        %swap3A_891 = arith.constant 0 : index
        %swap3A_892 = tpu.vector_load %swap3A_889[%swap3A_890, %swap3A_891] {strides = array<i32>} : memref<640x16xf32, #tpu.memory_space<vmem>>, vector<1x16xf32>,
        %swap3A_893 = vector.shape_cast %swap3A_892 : vector<1x16xf32> to vector<16xf32>
        %swap3A_894 = vector.shape_cast %add3A_885 : vector<16xf32> to vector<1x16xf32>
        tpu.vector_store %swap3A_889[%swap3A_890, %swap3A_891], %swap3A_894 {strides = array<i32>} : memref<640x16xf32, #tpu.memory_space<vmem>>, vector<1x16xf32>,
        %add3A_895 = arith.constant 13 : i32
        %add3A_896 = arith.addi %mul3A_245, %add3A_895 : i32
        %get3A_897 = arith.constant 0 : i32
        %get3A_898 = arith.constant 0 : i32
        %get3A_899 = tpu.memref_slice %arg10[%rem3A_146, %get3A_897, %get3A_898] : memref<2x640x64xf32, #tpu.memory_space<vmem>> -> memref<1x640x64xf32, #tpu.memory_space<vmem>>
        %get3A_900 = tpu.memref_squeeze %get3A_899 : memref<1x640x64xf32, #tpu.memory_space<vmem>> -> memref<640x64xf32, #tpu.memory_space<vmem>>
        %get3A_901 = arith.index_cast %add3A_896 : i32 to index
        %get3A_902 = arith.constant 0 : index
        %get3A_903 = tpu.vector_load %get3A_900[%get3A_901, %get3A_902] {strides = array<i32>} : memref<640x64xf32, #tpu.memory_space<vmem>>, vector<1x16xf32>,
        %get3A_904 = vector.shape_cast %get3A_903 : vector<1x16xf32> to vector<16xf32>
        %mul3A_905 = arith.mulf %get3A_904, %get3A_219 : vector<16xf32>
        %get3A_906 = arith.constant 0 : i32
        %get3A_907 = arith.constant 0 : i32
        %get3A_908 = tpu.memref_slice %arg10[%rem3A_146, %get3A_906, %get3A_907] : memref<2x640x64xf32, #tpu.memory_space<vmem>> -> memref<1x640x64xf32, #tpu.memory_space<vmem>>
        %get3A_909 = tpu.memref_squeeze %get3A_908 : memref<1x640x64xf32, #tpu.memory_space<vmem>> -> memref<640x64xf32, #tpu.memory_space<vmem>>
        %get3A_910 = arith.index_cast %add3A_896 : i32 to index
        %get3A_911 = arith.constant 16 : index
        %get3A_912 = tpu.vector_load %get3A_909[%get3A_910, %get3A_911] {strides = array<i32>} : memref<640x64xf32, #tpu.memory_space<vmem>>, vector<1x16xf32>,
        %get3A_913 = vector.shape_cast %get3A_912 : vector<1x16xf32> to vector<16xf32>
        %mul3A_914 = arith.mulf %get3A_913, %get3A_227 : vector<16xf32>
        %add3A_915 = arith.addf %mul3A_905, %mul3A_914 : vector<16xf32>
        %get3A_916 = arith.constant 0 : i32
        %get3A_917 = arith.constant 0 : i32
        %get3A_918 = tpu.memref_slice %arg10[%rem3A_146, %get3A_916, %get3A_917] : memref<2x640x64xf32, #tpu.memory_space<vmem>> -> memref<1x640x64xf32, #tpu.memory_space<vmem>>
        %get3A_919 = tpu.memref_squeeze %get3A_918 : memref<1x640x64xf32, #tpu.memory_space<vmem>> -> memref<640x64xf32, #tpu.memory_space<vmem>>
        %get3A_920 = arith.index_cast %add3A_896 : i32 to index
        %get3A_921 = arith.constant 32 : index
        %get3A_922 = tpu.vector_load %get3A_919[%get3A_920, %get3A_921] {strides = array<i32>} : memref<640x64xf32, #tpu.memory_space<vmem>>, vector<1x16xf32>,
        %get3A_923 = vector.shape_cast %get3A_922 : vector<1x16xf32> to vector<16xf32>
        %mul3A_924 = arith.mulf %get3A_923, %get3A_235 : vector<16xf32>
        %add3A_925 = arith.addf %add3A_915, %mul3A_924 : vector<16xf32>
        %get3A_926 = arith.constant 0 : i32
        %get3A_927 = arith.constant 0 : i32
        %get3A_928 = tpu.memref_slice %arg10[%rem3A_146, %get3A_926, %get3A_927] : memref<2x640x64xf32, #tpu.memory_space<vmem>> -> memref<1x640x64xf32, #tpu.memory_space<vmem>>
        %get3A_929 = tpu.memref_squeeze %get3A_928 : memref<1x640x64xf32, #tpu.memory_space<vmem>> -> memref<640x64xf32, #tpu.memory_space<vmem>>
        %get3A_930 = arith.index_cast %add3A_896 : i32 to index
        %get3A_931 = arith.constant 48 : index
        %get3A_932 = tpu.vector_load %get3A_929[%get3A_930, %get3A_931] {strides = array<i32>} : memref<640x64xf32, #tpu.memory_space<vmem>>, vector<1x16xf32>,
        %get3A_933 = vector.shape_cast %get3A_932 : vector<1x16xf32> to vector<16xf32>
        %mul3A_934 = arith.mulf %get3A_933, %get3A_243 : vector<16xf32>
        %add3A_935 = arith.addf %add3A_925, %mul3A_934 : vector<16xf32>
        %swap3A_936 = arith.constant 0 : i32
        %swap3A_937 = arith.constant 0 : i32
        %swap3A_938 = tpu.memref_slice %arg11[%rem3A_146, %swap3A_936, %swap3A_937] : memref<2x640x16xf32, #tpu.memory_space<vmem>> -> memref<1x640x16xf32, #tpu.memory_space<vmem>>
        %swap3A_939 = tpu.memref_squeeze %swap3A_938 : memref<1x640x16xf32, #tpu.memory_space<vmem>> -> memref<640x16xf32, #tpu.memory_space<vmem>>
        %swap3A_940 = arith.index_cast %add3A_896 : i32 to index
        %swap3A_941 = arith.constant 0 : index
        %swap3A_942 = tpu.vector_load %swap3A_939[%swap3A_940, %swap3A_941] {strides = array<i32>} : memref<640x16xf32, #tpu.memory_space<vmem>>, vector<1x16xf32>,
        %swap3A_943 = vector.shape_cast %swap3A_942 : vector<1x16xf32> to vector<16xf32>
        %swap3A_944 = vector.shape_cast %add3A_935 : vector<16xf32> to vector<1x16xf32>
        tpu.vector_store %swap3A_939[%swap3A_940, %swap3A_941], %swap3A_944 {strides = array<i32>} : memref<640x16xf32, #tpu.memory_space<vmem>>, vector<1x16xf32>,
        %add3A_945 = arith.constant 14 : i32
        %add3A_946 = arith.addi %mul3A_245, %add3A_945 : i32
        %get3A_947 = arith.constant 0 : i32
        %get3A_948 = arith.constant 0 : i32
        %get3A_949 = tpu.memref_slice %arg10[%rem3A_146, %get3A_947, %get3A_948] : memref<2x640x64xf32, #tpu.memory_space<vmem>> -> memref<1x640x64xf32, #tpu.memory_space<vmem>>
        %get3A_950 = tpu.memref_squeeze %get3A_949 : memref<1x640x64xf32, #tpu.memory_space<vmem>> -> memref<640x64xf32, #tpu.memory_space<vmem>>
        %get3A_951 = arith.index_cast %add3A_946 : i32 to index
        %get3A_952 = arith.constant 0 : index
        %get3A_953 = tpu.vector_load %get3A_950[%get3A_951, %get3A_952] {strides = array<i32>} : memref<640x64xf32, #tpu.memory_space<vmem>>, vector<1x16xf32>,
        %get3A_954 = vector.shape_cast %get3A_953 : vector<1x16xf32> to vector<16xf32>
        %mul3A_955 = arith.mulf %get3A_954, %get3A_219 : vector<16xf32>
        %get3A_956 = arith.constant 0 : i32
        %get3A_957 = arith.constant 0 : i32
        %get3A_958 = tpu.memref_slice %arg10[%rem3A_146, %get3A_956, %get3A_957] : memref<2x640x64xf32, #tpu.memory_space<vmem>> -> memref<1x640x64xf32, #tpu.memory_space<vmem>>
        %get3A_959 = tpu.memref_squeeze %get3A_958 : memref<1x640x64xf32, #tpu.memory_space<vmem>> -> memref<640x64xf32, #tpu.memory_space<vmem>>
        %get3A_960 = arith.index_cast %add3A_946 : i32 to index
        %get3A_961 = arith.constant 16 : index
        %get3A_962 = tpu.vector_load %get3A_959[%get3A_960, %get3A_961] {strides = array<i32>} : memref<640x64xf32, #tpu.memory_space<vmem>>, vector<1x16xf32>,
        %get3A_963 = vector.shape_cast %get3A_962 : vector<1x16xf32> to vector<16xf32>
        %mul3A_964 = arith.mulf %get3A_963, %get3A_227 : vector<16xf32>
        %add3A_965 = arith.addf %mul3A_955, %mul3A_964 : vector<16xf32>
        %get3A_966 = arith.constant 0 : i32
        %get3A_967 = arith.constant 0 : i32
        %get3A_968 = tpu.memref_slice %arg10[%rem3A_146, %get3A_966, %get3A_967] : memref<2x640x64xf32, #tpu.memory_space<vmem>> -> memref<1x640x64xf32, #tpu.memory_space<vmem>>
        %get3A_969 = tpu.memref_squeeze %get3A_968 : memref<1x640x64xf32, #tpu.memory_space<vmem>> -> memref<640x64xf32, #tpu.memory_space<vmem>>
        %get3A_970 = arith.index_cast %add3A_946 : i32 to index
        %get3A_971 = arith.constant 32 : index
        %get3A_972 = tpu.vector_load %get3A_969[%get3A_970, %get3A_971] {strides = array<i32>} : memref<640x64xf32, #tpu.memory_space<vmem>>, vector<1x16xf32>,
        %get3A_973 = vector.shape_cast %get3A_972 : vector<1x16xf32> to vector<16xf32>
        %mul3A_974 = arith.mulf %get3A_973, %get3A_235 : vector<16xf32>
        %add3A_975 = arith.addf %add3A_965, %mul3A_974 : vector<16xf32>
        %get3A_976 = arith.constant 0 : i32
        %get3A_977 = arith.constant 0 : i32
        %get3A_978 = tpu.memref_slice %arg10[%rem3A_146, %get3A_976, %get3A_977] : memref<2x640x64xf32, #tpu.memory_space<vmem>> -> memref<1x640x64xf32, #tpu.memory_space<vmem>>
        %get3A_979 = tpu.memref_squeeze %get3A_978 : memref<1x640x64xf32, #tpu.memory_space<vmem>> -> memref<640x64xf32, #tpu.memory_space<vmem>>
        %get3A_980 = arith.index_cast %add3A_946 : i32 to index
        %get3A_981 = arith.constant 48 : index
        %get3A_982 = tpu.vector_load %get3A_979[%get3A_980, %get3A_981] {strides = array<i32>} : memref<640x64xf32, #tpu.memory_space<vmem>>, vector<1x16xf32>,
        %get3A_983 = vector.shape_cast %get3A_982 : vector<1x16xf32> to vector<16xf32>
        %mul3A_984 = arith.mulf %get3A_983, %get3A_243 : vector<16xf32>
        %add3A_985 = arith.addf %add3A_975, %mul3A_984 : vector<16xf32>
        %swap3A_986 = arith.constant 0 : i32
        %swap3A_987 = arith.constant 0 : i32
        %swap3A_988 = tpu.memref_slice %arg11[%rem3A_146, %swap3A_986, %swap3A_987] : memref<2x640x16xf32, #tpu.memory_space<vmem>> -> memref<1x640x16xf32, #tpu.memory_space<vmem>>
        %swap3A_989 = tpu.memref_squeeze %swap3A_988 : memref<1x640x16xf32, #tpu.memory_space<vmem>> -> memref<640x16xf32, #tpu.memory_space<vmem>>
        %swap3A_990 = arith.index_cast %add3A_946 : i32 to index
        %swap3A_991 = arith.constant 0 : index
        %swap3A_992 = tpu.vector_load %swap3A_989[%swap3A_990, %swap3A_991] {strides = array<i32>} : memref<640x16xf32, #tpu.memory_space<vmem>>, vector<1x16xf32>,
        %swap3A_993 = vector.shape_cast %swap3A_992 : vector<1x16xf32> to vector<16xf32>
        %swap3A_994 = vector.shape_cast %add3A_985 : vector<16xf32> to vector<1x16xf32>
        tpu.vector_store %swap3A_989[%swap3A_990, %swap3A_991], %swap3A_994 {strides = array<i32>} : memref<640x16xf32, #tpu.memory_space<vmem>>, vector<1x16xf32>,
        %add3A_995 = arith.constant 15 : i32
        %add3A_996 = arith.addi %mul3A_245, %add3A_995 : i32
        %get3A_997 = arith.constant 0 : i32
        %get3A_998 = arith.constant 0 : i32
        %get3A_999 = tpu.memref_slice %arg10[%rem3A_146, %get3A_997, %get3A_998] : memref<2x640x64xf32, #tpu.memory_space<vmem>> -> memref<1x640x64xf32, #tpu.memory_space<vmem>>
        %get3A_1000 = tpu.memref_squeeze %get3A_999 : memref<1x640x64xf32, #tpu.memory_space<vmem>> -> memref<640x64xf32, #tpu.memory_space<vmem>>
        %get3A_1001 = arith.index_cast %add3A_996 : i32 to index
        %get3A_1002 = arith.constant 0 : index
        %get3A_1003 = tpu.vector_load %get3A_1000[%get3A_1001, %get3A_1002] {strides = array<i32>} : memref<640x64xf32, #tpu.memory_space<vmem>>, vector<1x16xf32>,
        %get3A_1004 = vector.shape_cast %get3A_1003 : vector<1x16xf32> to vector<16xf32>
        %mul3A_1005 = arith.mulf %get3A_1004, %get3A_219 : vector<16xf32>
        %get3A_1006 = arith.constant 0 : i32
        %get3A_1007 = arith.constant 0 : i32
        %get3A_1008 = tpu.memref_slice %arg10[%rem3A_146, %get3A_1006, %get3A_1007] : memref<2x640x64xf32, #tpu.memory_space<vmem>> -> memref<1x640x64xf32, #tpu.memory_space<vmem>>
        %get3A_1009 = tpu.memref_squeeze %get3A_1008 : memref<1x640x64xf32, #tpu.memory_space<vmem>> -> memref<640x64xf32, #tpu.memory_space<vmem>>
        %get3A_1010 = arith.index_cast %add3A_996 : i32 to index
        %get3A_1011 = arith.constant 16 : index
        %get3A_1012 = tpu.vector_load %get3A_1009[%get3A_1010, %get3A_1011] {strides = array<i32>} : memref<640x64xf32, #tpu.memory_space<vmem>>, vector<1x16xf32>,
        %get3A_1013 = vector.shape_cast %get3A_1012 : vector<1x16xf32> to vector<16xf32>
        %mul3A_1014 = arith.mulf %get3A_1013, %get3A_227 : vector<16xf32>
        %add3A_1015 = arith.addf %mul3A_1005, %mul3A_1014 : vector<16xf32>
        %get3A_1016 = arith.constant 0 : i32
        %get3A_1017 = arith.constant 0 : i32
        %get3A_1018 = tpu.memref_slice %arg10[%rem3A_146, %get3A_1016, %get3A_1017] : memref<2x640x64xf32, #tpu.memory_space<vmem>> -> memref<1x640x64xf32, #tpu.memory_space<vmem>>
        %get3A_1019 = tpu.memref_squeeze %get3A_1018 : memref<1x640x64xf32, #tpu.memory_space<vmem>> -> memref<640x64xf32, #tpu.memory_space<vmem>>
        %get3A_1020 = arith.index_cast %add3A_996 : i32 to index
        %get3A_1021 = arith.constant 32 : index
        %get3A_1022 = tpu.vector_load %get3A_1019[%get3A_1020, %get3A_1021] {strides = array<i32>} : memref<640x64xf32, #tpu.memory_space<vmem>>, vector<1x16xf32>,
        %get3A_1023 = vector.shape_cast %get3A_1022 : vector<1x16xf32> to vector<16xf32>
        %mul3A_1024 = arith.mulf %get3A_1023, %get3A_235 : vector<16xf32>
        %add3A_1025 = arith.addf %add3A_1015, %mul3A_1024 : vector<16xf32>
        %get3A_1026 = arith.constant 0 : i32
        %get3A_1027 = arith.constant 0 : i32
        %get3A_1028 = tpu.memref_slice %arg10[%rem3A_146, %get3A_1026, %get3A_1027] : memref<2x640x64xf32, #tpu.memory_space<vmem>> -> memref<1x640x64xf32, #tpu.memory_space<vmem>>
        %get3A_1029 = tpu.memref_squeeze %get3A_1028 : memref<1x640x64xf32, #tpu.memory_space<vmem>> -> memref<640x64xf32, #tpu.memory_space<vmem>>
        %get3A_1030 = arith.index_cast %add3A_996 : i32 to index
        %get3A_1031 = arith.constant 48 : index
        %get3A_1032 = tpu.vector_load %get3A_1029[%get3A_1030, %get3A_1031] {strides = array<i32>} : memref<640x64xf32, #tpu.memory_space<vmem>>, vector<1x16xf32>,
        %get3A_1033 = vector.shape_cast %get3A_1032 : vector<1x16xf32> to vector<16xf32>
        %mul3A_1034 = arith.mulf %get3A_1033, %get3A_243 : vector<16xf32>
        %add3A_1035 = arith.addf %add3A_1025, %mul3A_1034 : vector<16xf32>
        %swap3A_1036 = arith.constant 0 : i32
        %swap3A_1037 = arith.constant 0 : i32
        %swap3A_1038 = tpu.memref_slice %arg11[%rem3A_146, %swap3A_1036, %swap3A_1037] : memref<2x640x16xf32, #tpu.memory_space<vmem>> -> memref<1x640x16xf32, #tpu.memory_space<vmem>>
        %swap3A_1039 = tpu.memref_squeeze %swap3A_1038 : memref<1x640x16xf32, #tpu.memory_space<vmem>> -> memref<640x16xf32, #tpu.memory_space<vmem>>
        %swap3A_1040 = arith.index_cast %add3A_996 : i32 to index
        %swap3A_1041 = arith.constant 0 : index
        %swap3A_1042 = tpu.vector_load %swap3A_1039[%swap3A_1040, %swap3A_1041] {strides = array<i32>} : memref<640x16xf32, #tpu.memory_space<vmem>>, vector<1x16xf32>,
        %swap3A_1043 = vector.shape_cast %swap3A_1042 : vector<1x16xf32> to vector<16xf32>
        %swap3A_1044 = vector.shape_cast %add3A_1035 : vector<16xf32> to vector<1x16xf32>
        tpu.vector_store %swap3A_1039[%swap3A_1040, %swap3A_1041], %swap3A_1044 {strides = array<i32>} : memref<640x16xf32, #tpu.memory_space<vmem>>, vector<1x16xf32>,
        %add3A_1045 = arith.constant 16 : i32
        %add3A_1046 = arith.addi %mul3A_245, %add3A_1045 : i32
        %get3A_1047 = arith.constant 0 : i32
        %get3A_1048 = arith.constant 0 : i32
        %get3A_1049 = tpu.memref_slice %arg10[%rem3A_146, %get3A_1047, %get3A_1048] : memref<2x640x64xf32, #tpu.memory_space<vmem>> -> memref<1x640x64xf32, #tpu.memory_space<vmem>>
        %get3A_1050 = tpu.memref_squeeze %get3A_1049 : memref<1x640x64xf32, #tpu.memory_space<vmem>> -> memref<640x64xf32, #tpu.memory_space<vmem>>
        %get3A_1051 = arith.index_cast %add3A_1046 : i32 to index
        %get3A_1052 = arith.constant 0 : index
        %get3A_1053 = tpu.vector_load %get3A_1050[%get3A_1051, %get3A_1052] {strides = array<i32>} : memref<640x64xf32, #tpu.memory_space<vmem>>, vector<1x16xf32>,
        %get3A_1054 = vector.shape_cast %get3A_1053 : vector<1x16xf32> to vector<16xf32>
        %mul3A_1055 = arith.mulf %get3A_1054, %get3A_219 : vector<16xf32>
        %get3A_1056 = arith.constant 0 : i32
        %get3A_1057 = arith.constant 0 : i32
        %get3A_1058 = tpu.memref_slice %arg10[%rem3A_146, %get3A_1056, %get3A_1057] : memref<2x640x64xf32, #tpu.memory_space<vmem>> -> memref<1x640x64xf32, #tpu.memory_space<vmem>>
        %get3A_1059 = tpu.memref_squeeze %get3A_1058 : memref<1x640x64xf32, #tpu.memory_space<vmem>> -> memref<640x64xf32, #tpu.memory_space<vmem>>
        %get3A_1060 = arith.index_cast %add3A_1046 : i32 to index
        %get3A_1061 = arith.constant 16 : index
        %get3A_1062 = tpu.vector_load %get3A_1059[%get3A_1060, %get3A_1061] {strides = array<i32>} : memref<640x64xf32, #tpu.memory_space<vmem>>, vector<1x16xf32>,
        %get3A_1063 = vector.shape_cast %get3A_1062 : vector<1x16xf32> to vector<16xf32>
        %mul3A_1064 = arith.mulf %get3A_1063, %get3A_227 : vector<16xf32>
        %add3A_1065 = arith.addf %mul3A_1055, %mul3A_1064 : vector<16xf32>
        %get3A_1066 = arith.constant 0 : i32
        %get3A_1067 = arith.constant 0 : i32
        %get3A_1068 = tpu.memref_slice %arg10[%rem3A_146, %get3A_1066, %get3A_1067] : memref<2x640x64xf32, #tpu.memory_space<vmem>> -> memref<1x640x64xf32, #tpu.memory_space<vmem>>
        %get3A_1069 = tpu.memref_squeeze %get3A_1068 : memref<1x640x64xf32, #tpu.memory_space<vmem>> -> memref<640x64xf32, #tpu.memory_space<vmem>>
        %get3A_1070 = arith.index_cast %add3A_1046 : i32 to index
        %get3A_1071 = arith.constant 32 : index
        %get3A_1072 = tpu.vector_load %get3A_1069[%get3A_1070, %get3A_1071] {strides = array<i32>} : memref<640x64xf32, #tpu.memory_space<vmem>>, vector<1x16xf32>,
        %get3A_1073 = vector.shape_cast %get3A_1072 : vector<1x16xf32> to vector<16xf32>
        %mul3A_1074 = arith.mulf %get3A_1073, %get3A_235 : vector<16xf32>
        %add3A_1075 = arith.addf %add3A_1065, %mul3A_1074 : vector<16xf32>
        %get3A_1076 = arith.constant 0 : i32
        %get3A_1077 = arith.constant 0 : i32
        %get3A_1078 = tpu.memref_slice %arg10[%rem3A_146, %get3A_1076, %get3A_1077] : memref<2x640x64xf32, #tpu.memory_space<vmem>> -> memref<1x640x64xf32, #tpu.memory_space<vmem>>
        %get3A_1079 = tpu.memref_squeeze %get3A_1078 : memref<1x640x64xf32, #tpu.memory_space<vmem>> -> memref<640x64xf32, #tpu.memory_space<vmem>>
        %get3A_1080 = arith.index_cast %add3A_1046 : i32 to index
        %get3A_1081 = arith.constant 48 : index
        %get3A_1082 = tpu.vector_load %get3A_1079[%get3A_1080, %get3A_1081] {strides = array<i32>} : memref<640x64xf32, #tpu.memory_space<vmem>>, vector<1x16xf32>,
        %get3A_1083 = vector.shape_cast %get3A_1082 : vector<1x16xf32> to vector<16xf32>
        %mul3A_1084 = arith.mulf %get3A_1083, %get3A_243 : vector<16xf32>
        %add3A_1085 = arith.addf %add3A_1075, %mul3A_1084 : vector<16xf32>
        %swap3A_1086 = arith.constant 0 : i32
        %swap3A_1087 = arith.constant 0 : i32
        %swap3A_1088 = tpu.memref_slice %arg11[%rem3A_146, %swap3A_1086, %swap3A_1087] : memref<2x640x16xf32, #tpu.memory_space<vmem>> -> memref<1x640x16xf32, #tpu.memory_space<vmem>>
        %swap3A_1089 = tpu.memref_squeeze %swap3A_1088 : memref<1x640x16xf32, #tpu.memory_space<vmem>> -> memref<640x16xf32, #tpu.memory_space<vmem>>
        %swap3A_1090 = arith.index_cast %add3A_1046 : i32 to index
        %swap3A_1091 = arith.constant 0 : index
        %swap3A_1092 = tpu.vector_load %swap3A_1089[%swap3A_1090, %swap3A_1091] {strides = array<i32>} : memref<640x16xf32, #tpu.memory_space<vmem>>, vector<1x16xf32>,
        %swap3A_1093 = vector.shape_cast %swap3A_1092 : vector<1x16xf32> to vector<16xf32>
        %swap3A_1094 = vector.shape_cast %add3A_1085 : vector<16xf32> to vector<1x16xf32>
        tpu.vector_store %swap3A_1089[%swap3A_1090, %swap3A_1091], %swap3A_1094 {strides = array<i32>} : memref<640x16xf32, #tpu.memory_space<vmem>>, vector<1x16xf32>,
        %add3A_1095 = arith.constant 17 : i32
        %add3A_1096 = arith.addi %mul3A_245, %add3A_1095 : i32
        %get3A_1097 = arith.constant 0 : i32
        %get3A_1098 = arith.constant 0 : i32
        %get3A_1099 = tpu.memref_slice %arg10[%rem3A_146, %get3A_1097, %get3A_1098] : memref<2x640x64xf32, #tpu.memory_space<vmem>> -> memref<1x640x64xf32, #tpu.memory_space<vmem>>
        %get3A_1100 = tpu.memref_squeeze %get3A_1099 : memref<1x640x64xf32, #tpu.memory_space<vmem>> -> memref<640x64xf32, #tpu.memory_space<vmem>>
        %get3A_1101 = arith.index_cast %add3A_1096 : i32 to index
        %get3A_1102 = arith.constant 0 : index
        %get3A_1103 = tpu.vector_load %get3A_1100[%get3A_1101, %get3A_1102] {strides = array<i32>} : memref<640x64xf32, #tpu.memory_space<vmem>>, vector<1x16xf32>,
        %get3A_1104 = vector.shape_cast %get3A_1103 : vector<1x16xf32> to vector<16xf32>
        %mul3A_1105 = arith.mulf %get3A_1104, %get3A_219 : vector<16xf32>
        %get3A_1106 = arith.constant 0 : i32
        %get3A_1107 = arith.constant 0 : i32
        %get3A_1108 = tpu.memref_slice %arg10[%rem3A_146, %get3A_1106, %get3A_1107] : memref<2x640x64xf32, #tpu.memory_space<vmem>> -> memref<1x640x64xf32, #tpu.memory_space<vmem>>
        %get3A_1109 = tpu.memref_squeeze %get3A_1108 : memref<1x640x64xf32, #tpu.memory_space<vmem>> -> memref<640x64xf32, #tpu.memory_space<vmem>>
        %get3A_1110 = arith.index_cast %add3A_1096 : i32 to index
        %get3A_1111 = arith.constant 16 : index
        %get3A_1112 = tpu.vector_load %get3A_1109[%get3A_1110, %get3A_1111] {strides = array<i32>} : memref<640x64xf32, #tpu.memory_space<vmem>>, vector<1x16xf32>,
        %get3A_1113 = vector.shape_cast %get3A_1112 : vector<1x16xf32> to vector<16xf32>
        %mul3A_1114 = arith.mulf %get3A_1113, %get3A_227 : vector<16xf32>
        %add3A_1115 = arith.addf %mul3A_1105, %mul3A_1114 : vector<16xf32>
        %get3A_1116 = arith.constant 0 : i32
        %get3A_1117 = arith.constant 0 : i32
        %get3A_1118 = tpu.memref_slice %arg10[%rem3A_146, %get3A_1116, %get3A_1117] : memref<2x640x64xf32, #tpu.memory_space<vmem>> -> memref<1x640x64xf32, #tpu.memory_space<vmem>>
        %get3A_1119 = tpu.memref_squeeze %get3A_1118 : memref<1x640x64xf32, #tpu.memory_space<vmem>> -> memref<640x64xf32, #tpu.memory_space<vmem>>
        %get3A_1120 = arith.index_cast %add3A_1096 : i32 to index
        %get3A_1121 = arith.constant 32 : index
        %get3A_1122 = tpu.vector_load %get3A_1119[%get3A_1120, %get3A_1121] {strides = array<i32>} : memref<640x64xf32, #tpu.memory_space<vmem>>, vector<1x16xf32>,
        %get3A_1123 = vector.shape_cast %get3A_1122 : vector<1x16xf32> to vector<16xf32>
        %mul3A_1124 = arith.mulf %get3A_1123, %get3A_235 : vector<16xf32>
        %add3A_1125 = arith.addf %add3A_1115, %mul3A_1124 : vector<16xf32>
        %get3A_1126 = arith.constant 0 : i32
        %get3A_1127 = arith.constant 0 : i32
        %get3A_1128 = tpu.memref_slice %arg10[%rem3A_146, %get3A_1126, %get3A_1127] : memref<2x640x64xf32, #tpu.memory_space<vmem>> -> memref<1x640x64xf32, #tpu.memory_space<vmem>>
        %get3A_1129 = tpu.memref_squeeze %get3A_1128 : memref<1x640x64xf32, #tpu.memory_space<vmem>> -> memref<640x64xf32, #tpu.memory_space<vmem>>
        %get3A_1130 = arith.index_cast %add3A_1096 : i32 to index
        %get3A_1131 = arith.constant 48 : index
        %get3A_1132 = tpu.vector_load %get3A_1129[%get3A_1130, %get3A_1131] {strides = array<i32>} : memref<640x64xf32, #tpu.memory_space<vmem>>, vector<1x16xf32>,
        %get3A_1133 = vector.shape_cast %get3A_1132 : vector<1x16xf32> to vector<16xf32>
        %mul3A_1134 = arith.mulf %get3A_1133, %get3A_243 : vector<16xf32>
        %add3A_1135 = arith.addf %add3A_1125, %mul3A_1134 : vector<16xf32>
        %swap3A_1136 = arith.constant 0 : i32
        %swap3A_1137 = arith.constant 0 : i32
        %swap3A_1138 = tpu.memref_slice %arg11[%rem3A_146, %swap3A_1136, %swap3A_1137] : memref<2x640x16xf32, #tpu.memory_space<vmem>> -> memref<1x640x16xf32, #tpu.memory_space<vmem>>
        %swap3A_1139 = tpu.memref_squeeze %swap3A_1138 : memref<1x640x16xf32, #tpu.memory_space<vmem>> -> memref<640x16xf32, #tpu.memory_space<vmem>>
        %swap3A_1140 = arith.index_cast %add3A_1096 : i32 to index
        %swap3A_1141 = arith.constant 0 : index
        %swap3A_1142 = tpu.vector_load %swap3A_1139[%swap3A_1140, %swap3A_1141] {strides = array<i32>} : memref<640x16xf32, #tpu.memory_space<vmem>>, vector<1x16xf32>,
        %swap3A_1143 = vector.shape_cast %swap3A_1142 : vector<1x16xf32> to vector<16xf32>
        %swap3A_1144 = vector.shape_cast %add3A_1135 : vector<16xf32> to vector<1x16xf32>
        tpu.vector_store %swap3A_1139[%swap3A_1140, %swap3A_1141], %swap3A_1144 {strides = array<i32>} : memref<640x16xf32, #tpu.memory_space<vmem>>, vector<1x16xf32>,
        %add3A_1145 = arith.constant 18 : i32
        %add3A_1146 = arith.addi %mul3A_245, %add3A_1145 : i32
        %get3A_1147 = arith.constant 0 : i32
        %get3A_1148 = arith.constant 0 : i32
        %get3A_1149 = tpu.memref_slice %arg10[%rem3A_146, %get3A_1147, %get3A_1148] : memref<2x640x64xf32, #tpu.memory_space<vmem>> -> memref<1x640x64xf32, #tpu.memory_space<vmem>>
        %get3A_1150 = tpu.memref_squeeze %get3A_1149 : memref<1x640x64xf32, #tpu.memory_space<vmem>> -> memref<640x64xf32, #tpu.memory_space<vmem>>
        %get3A_1151 = arith.index_cast %add3A_1146 : i32 to index
        %get3A_1152 = arith.constant 0 : index
        %get3A_1153 = tpu.vector_load %get3A_1150[%get3A_1151, %get3A_1152] {strides = array<i32>} : memref<640x64xf32, #tpu.memory_space<vmem>>, vector<1x16xf32>,
        %get3A_1154 = vector.shape_cast %get3A_1153 : vector<1x16xf32> to vector<16xf32>
        %mul3A_1155 = arith.mulf %get3A_1154, %get3A_219 : vector<16xf32>
        %get3A_1156 = arith.constant 0 : i32
        %get3A_1157 = arith.constant 0 : i32
        %get3A_1158 = tpu.memref_slice %arg10[%rem3A_146, %get3A_1156, %get3A_1157] : memref<2x640x64xf32, #tpu.memory_space<vmem>> -> memref<1x640x64xf32, #tpu.memory_space<vmem>>
        %get3A_1159 = tpu.memref_squeeze %get3A_1158 : memref<1x640x64xf32, #tpu.memory_space<vmem>> -> memref<640x64xf32, #tpu.memory_space<vmem>>
        %get3A_1160 = arith.index_cast %add3A_1146 : i32 to index
        %get3A_1161 = arith.constant 16 : index
        %get3A_1162 = tpu.vector_load %get3A_1159[%get3A_1160, %get3A_1161] {strides = array<i32>} : memref<640x64xf32, #tpu.memory_space<vmem>>, vector<1x16xf32>,
        %get3A_1163 = vector.shape_cast %get3A_1162 : vector<1x16xf32> to vector<16xf32>
        %mul3A_1164 = arith.mulf %get3A_1163, %get3A_227 : vector<16xf32>
        %add3A_1165 = arith.addf %mul3A_1155, %mul3A_1164 : vector<16xf32>
        %get3A_1166 = arith.constant 0 : i32
        %get3A_1167 = arith.constant 0 : i32
        %get3A_1168 = tpu.memref_slice %arg10[%rem3A_146, %get3A_1166, %get3A_1167] : memref<2x640x64xf32, #tpu.memory_space<vmem>> -> memref<1x640x64xf32, #tpu.memory_space<vmem>>
        %get3A_1169 = tpu.memref_squeeze %get3A_1168 : memref<1x640x64xf32, #tpu.memory_space<vmem>> -> memref<640x64xf32, #tpu.memory_space<vmem>>
        %get3A_1170 = arith.index_cast %add3A_1146 : i32 to index
        %get3A_1171 = arith.constant 32 : index
        %get3A_1172 = tpu.vector_load %get3A_1169[%get3A_1170, %get3A_1171] {strides = array<i32>} : memref<640x64xf32, #tpu.memory_space<vmem>>, vector<1x16xf32>,
        %get3A_1173 = vector.shape_cast %get3A_1172 : vector<1x16xf32> to vector<16xf32>
        %mul3A_1174 = arith.mulf %get3A_1173, %get3A_235 : vector<16xf32>
        %add3A_1175 = arith.addf %add3A_1165, %mul3A_1174 : vector<16xf32>
        %get3A_1176 = arith.constant 0 : i32
        %get3A_1177 = arith.constant 0 : i32
        %get3A_1178 = tpu.memref_slice %arg10[%rem3A_146, %get3A_1176, %get3A_1177] : memref<2x640x64xf32, #tpu.memory_space<vmem>> -> memref<1x640x64xf32, #tpu.memory_space<vmem>>
        %get3A_1179 = tpu.memref_squeeze %get3A_1178 : memref<1x640x64xf32, #tpu.memory_space<vmem>> -> memref<640x64xf32, #tpu.memory_space<vmem>>
        %get3A_1180 = arith.index_cast %add3A_1146 : i32 to index
        %get3A_1181 = arith.constant 48 : index
        %get3A_1182 = tpu.vector_load %get3A_1179[%get3A_1180, %get3A_1181] {strides = array<i32>} : memref<640x64xf32, #tpu.memory_space<vmem>>, vector<1x16xf32>,
        %get3A_1183 = vector.shape_cast %get3A_1182 : vector<1x16xf32> to vector<16xf32>
        %mul3A_1184 = arith.mulf %get3A_1183, %get3A_243 : vector<16xf32>
        %add3A_1185 = arith.addf %add3A_1175, %mul3A_1184 : vector<16xf32>
        %swap3A_1186 = arith.constant 0 : i32
        %swap3A_1187 = arith.constant 0 : i32
        %swap3A_1188 = tpu.memref_slice %arg11[%rem3A_146, %swap3A_1186, %swap3A_1187] : memref<2x640x16xf32, #tpu.memory_space<vmem>> -> memref<1x640x16xf32, #tpu.memory_space<vmem>>
        %swap3A_1189 = tpu.memref_squeeze %swap3A_1188 : memref<1x640x16xf32, #tpu.memory_space<vmem>> -> memref<640x16xf32, #tpu.memory_space<vmem>>
        %swap3A_1190 = arith.index_cast %add3A_1146 : i32 to index
        %swap3A_1191 = arith.constant 0 : index
        %swap3A_1192 = tpu.vector_load %swap3A_1189[%swap3A_1190, %swap3A_1191] {strides = array<i32>} : memref<640x16xf32, #tpu.memory_space<vmem>>, vector<1x16xf32>,
        %swap3A_1193 = vector.shape_cast %swap3A_1192 : vector<1x16xf32> to vector<16xf32>
        %swap3A_1194 = vector.shape_cast %add3A_1185 : vector<16xf32> to vector<1x16xf32>
        tpu.vector_store %swap3A_1189[%swap3A_1190, %swap3A_1191], %swap3A_1194 {strides = array<i32>} : memref<640x16xf32, #tpu.memory_space<vmem>>, vector<1x16xf32>,
        %add3A_1195 = arith.constant 19 : i32
        %add3A_1196 = arith.addi %mul3A_245, %add3A_1195 : i32
        %get3A_1197 = arith.constant 0 : i32
        %get3A_1198 = arith.constant 0 : i32
        %get3A_1199 = tpu.memref_slice %arg10[%rem3A_146, %get3A_1197, %get3A_1198] : memref<2x640x64xf32, #tpu.memory_space<vmem>> -> memref<1x640x64xf32, #tpu.memory_space<vmem>>
        %get3A_1200 = tpu.memref_squeeze %get3A_1199 : memref<1x640x64xf32, #tpu.memory_space<vmem>> -> memref<640x64xf32, #tpu.memory_space<vmem>>
        %get3A_1201 = arith.index_cast %add3A_1196 : i32 to index
        %get3A_1202 = arith.constant 0 : index
        %get3A_1203 = tpu.vector_load %get3A_1200[%get3A_1201, %get3A_1202] {strides = array<i32>} : memref<640x64xf32, #tpu.memory_space<vmem>>, vector<1x16xf32>,
        %get3A_1204 = vector.shape_cast %get3A_1203 : vector<1x16xf32> to vector<16xf32>
        %mul3A_1205 = arith.mulf %get3A_1204, %get3A_219 : vector<16xf32>
        %get3A_1206 = arith.constant 0 : i32
        %get3A_1207 = arith.constant 0 : i32
        %get3A_1208 = tpu.memref_slice %arg10[%rem3A_146, %get3A_1206, %get3A_1207] : memref<2x640x64xf32, #tpu.memory_space<vmem>> -> memref<1x640x64xf32, #tpu.memory_space<vmem>>
        %get3A_1209 = tpu.memref_squeeze %get3A_1208 : memref<1x640x64xf32, #tpu.memory_space<vmem>> -> memref<640x64xf32, #tpu.memory_space<vmem>>
        %get3A_1210 = arith.index_cast %add3A_1196 : i32 to index
        %get3A_1211 = arith.constant 16 : index
        %get3A_1212 = tpu.vector_load %get3A_1209[%get3A_1210, %get3A_1211] {strides = array<i32>} : memref<640x64xf32, #tpu.memory_space<vmem>>, vector<1x16xf32>,
        %get3A_1213 = vector.shape_cast %get3A_1212 : vector<1x16xf32> to vector<16xf32>
        %mul3A_1214 = arith.mulf %get3A_1213, %get3A_227 : vector<16xf32>
        %add3A_1215 = arith.addf %mul3A_1205, %mul3A_1214 : vector<16xf32>
        %get3A_1216 = arith.constant 0 : i32
        %get3A_1217 = arith.constant 0 : i32
        %get3A_1218 = tpu.memref_slice %arg10[%rem3A_146, %get3A_1216, %get3A_1217] : memref<2x640x64xf32, #tpu.memory_space<vmem>> -> memref<1x640x64xf32, #tpu.memory_space<vmem>>
        %get3A_1219 = tpu.memref_squeeze %get3A_1218 : memref<1x640x64xf32, #tpu.memory_space<vmem>> -> memref<640x64xf32, #tpu.memory_space<vmem>>
        %get3A_1220 = arith.index_cast %add3A_1196 : i32 to index
        %get3A_1221 = arith.constant 32 : index
        %get3A_1222 = tpu.vector_load %get3A_1219[%get3A_1220, %get3A_1221] {strides = array<i32>} : memref<640x64xf32, #tpu.memory_space<vmem>>, vector<1x16xf32>,
        %get3A_1223 = vector.shape_cast %get3A_1222 : vector<1x16xf32> to vector<16xf32>
        %mul3A_1224 = arith.mulf %get3A_1223, %get3A_235 : vector<16xf32>
        %add3A_1225 = arith.addf %add3A_1215, %mul3A_1224 : vector<16xf32>
        %get3A_1226 = arith.constant 0 : i32
        %get3A_1227 = arith.constant 0 : i32
        %get3A_1228 = tpu.memref_slice %arg10[%rem3A_146, %get3A_1226, %get3A_1227] : memref<2x640x64xf32, #tpu.memory_space<vmem>> -> memref<1x640x64xf32, #tpu.memory_space<vmem>>
        %get3A_1229 = tpu.memref_squeeze %get3A_1228 : memref<1x640x64xf32, #tpu.memory_space<vmem>> -> memref<640x64xf32, #tpu.memory_space<vmem>>
        %get3A_1230 = arith.index_cast %add3A_1196 : i32 to index
        %get3A_1231 = arith.constant 48 : index
        %get3A_1232 = tpu.vector_load %get3A_1229[%get3A_1230, %get3A_1231] {strides = array<i32>} : memref<640x64xf32, #tpu.memory_space<vmem>>, vector<1x16xf32>,
        %get3A_1233 = vector.shape_cast %get3A_1232 : vector<1x16xf32> to vector<16xf32>
        %mul3A_1234 = arith.mulf %get3A_1233, %get3A_243 : vector<16xf32>
        %add3A_1235 = arith.addf %add3A_1225, %mul3A_1234 : vector<16xf32>
        %swap3A_1236 = arith.constant 0 : i32
        %swap3A_1237 = arith.constant 0 : i32
        %swap3A_1238 = tpu.memref_slice %arg11[%rem3A_146, %swap3A_1236, %swap3A_1237] : memref<2x640x16xf32, #tpu.memory_space<vmem>> -> memref<1x640x16xf32, #tpu.memory_space<vmem>>
        %swap3A_1239 = tpu.memref_squeeze %swap3A_1238 : memref<1x640x16xf32, #tpu.memory_space<vmem>> -> memref<640x16xf32, #tpu.memory_space<vmem>>
        %swap3A_1240 = arith.index_cast %add3A_1196 : i32 to index
        %swap3A_1241 = arith.constant 0 : index
        %swap3A_1242 = tpu.vector_load %swap3A_1239[%swap3A_1240, %swap3A_1241] {strides = array<i32>} : memref<640x16xf32, #tpu.memory_space<vmem>>, vector<1x16xf32>,
        %swap3A_1243 = vector.shape_cast %swap3A_1242 : vector<1x16xf32> to vector<16xf32>
        %swap3A_1244 = vector.shape_cast %add3A_1235 : vector<16xf32> to vector<1x16xf32>
        tpu.vector_store %swap3A_1239[%swap3A_1240, %swap3A_1241], %swap3A_1244 {strides = array<i32>} : memref<640x16xf32, #tpu.memory_space<vmem>>, vector<1x16xf32>,
      }
      %scan3A_197 = arith.constant 32 : i32
      %dma_start3A_198 = arith.constant 0 : i32
      %dma_start3A_199 = arith.constant 0 : i32
      %dma_start3A_200 = tpu.memref_slice %arg11[%rem3A_146, %dma_start3A_198, %dma_start3A_199] : memref<2x640x16xf32, #tpu.memory_space<vmem>> -> memref<1x640x16xf32, #tpu.memory_space<vmem>>
      %dma_start3A_201 = tpu.memref_squeeze %dma_start3A_200 : memref<1x640x16xf32, #tpu.memory_space<vmem>> -> memref<640x16xf32, #tpu.memory_space<vmem>>
      %dma_start3A_202 = arith.constant 0 : i32
      %dma_start3A_203 = tpu.memref_slice %arg6[%add3A_187, %dma_start3A_202] : memref<327680x16xf32, #tpu.memory_space<hbm>> -> memref<640x16xf32, #tpu.memory_space<hbm>>
      %dma_start3A_204 = tpu.memref_slice %arg13[%rem3A_146] : memref<2x!tpu.dma_semaphore, #tpu.memory_space<semaphore_mem>> -> memref<1x!tpu.dma_semaphore, #tpu.memory_space<semaphore_mem>>
      %dma_start3A_205 = tpu.memref_squeeze %dma_start3A_204 : memref<1x!tpu.dma_semaphore, #tpu.memory_space<semaphore_mem>> -> memref<!tpu.dma_semaphore, #tpu.memory_space<semaphore_mem>>
      %dma_start3A_206 = arith.constant 0 : i32
      %dma_start3A_207 = tpu.memref_slice %arg6[%add3A_187, %dma_start3A_206] : memref<327680x16xf32, #tpu.memory_space<hbm>> -> memref<640x16xf32, #tpu.memory_space<hbm>>
      %dma_start3A_208 = arith.constant 0 : i32
      %dma_start3A_209 = arith.constant 0 : i32
      %dma_start3A_210 = tpu.memref_slice %arg11[%rem3A_146, %dma_start3A_208, %dma_start3A_209] : memref<2x640x16xf32, #tpu.memory_space<vmem>> -> memref<1x640x16xf32, #tpu.memory_space<vmem>>
      %dma_start3A_211 = tpu.memref_squeeze %dma_start3A_210 : memref<1x640x16xf32, #tpu.memory_space<vmem>> -> memref<640x16xf32, #tpu.memory_space<vmem>>
      tpu.enqueue_dma source(%dma_start3A_211 : memref<640x16xf32, #tpu.memory_space<vmem>>) target(%dma_start3A_207 : memref<640x16xf32, #tpu.memory_space<hbm>>) target_semaphore(%dma_start3A_205 : memref<!tpu.dma_semaphore, #tpu.memory_space<semaphore_mem>>)
    }
    %scan3A_109 = arith.constant 16 : i32
    %dma_wait3A = arith.constant 0 : i32
    %dma_wait3A_110 = arith.constant 0 : i32
    %dma_wait3A_111 = arith.constant 0 : i32
    %dma_wait3A_112 = arith.constant 0 : i32
    %dma_wait3A_113 = tpu.memref_slice %arg11[%dma_wait3A, %dma_wait3A_111, %dma_wait3A_112] : memref<2x640x16xf32, #tpu.memory_space<vmem>> -> memref<1x640x16xf32, #tpu.memory_space<vmem>>
    %dma_wait3A_114 = tpu.memref_squeeze %dma_wait3A_113 : memref<1x640x16xf32, #tpu.memory_space<vmem>> -> memref<640x16xf32, #tpu.memory_space<vmem>>
    %dma_wait3A_115 = arith.constant 0 : i32
    %dma_wait3A_116 = arith.constant 0 : i32
    %dma_wait3A_117 = tpu.memref_slice %arg6[%dma_wait3A_115, %dma_wait3A_116] : memref<327680x16xf32, #tpu.memory_space<hbm>> -> memref<640x16xf32, #tpu.memory_space<hbm>>
    %dma_wait3A_118 = tpu.memref_slice %arg13[%dma_wait3A_110] : memref<2x!tpu.dma_semaphore, #tpu.memory_space<semaphore_mem>> -> memref<1x!tpu.dma_semaphore, #tpu.memory_space<semaphore_mem>>
    %dma_wait3A_119 = tpu.memref_squeeze %dma_wait3A_118 : memref<1x!tpu.dma_semaphore, #tpu.memory_space<semaphore_mem>> -> memref<!tpu.dma_semaphore, #tpu.memory_space<semaphore_mem>>
    %dma_wait3A_120 = arith.constant 0 : i32
    %dma_wait3A_121 = arith.constant 0 : i32
    %dma_wait3A_122 = tpu.memref_slice %arg6[%dma_wait3A_120, %dma_wait3A_121] : memref<327680x16xf32, #tpu.memory_space<hbm>> -> memref<640x16xf32, #tpu.memory_space<hbm>>
    %dma_wait3A_123 = arith.constant 0 : i32
    %dma_wait3A_124 = arith.constant 0 : i32
    %dma_wait3A_125 = tpu.memref_slice %arg11[%dma_wait3A, %dma_wait3A_123, %dma_wait3A_124] : memref<2x640x16xf32, #tpu.memory_space<vmem>> -> memref<1x640x16xf32, #tpu.memory_space<vmem>>
    %dma_wait3A_126 = tpu.memref_squeeze %dma_wait3A_125 : memref<1x640x16xf32, #tpu.memory_space<vmem>> -> memref<640x16xf32, #tpu.memory_space<vmem>>
    tpu.wait_dma2 semaphore(%dma_wait3A_119 : memref<!tpu.dma_semaphore, #tpu.memory_space<semaphore_mem>>) src(%dma_wait3A_126 : memref<640x16xf32, #tpu.memory_space<vmem>>) dst(%dma_wait3A_122 : memref<640x16xf32, #tpu.memory_space<hbm>>)
    %dma_wait3A_127 = arith.constant 1 : i32
    %dma_wait3A_128 = arith.constant 1 : i32
    %dma_wait3A_129 = arith.constant 0 : i32
    %dma_wait3A_130 = arith.constant 0 : i32
    %dma_wait3A_131 = tpu.memref_slice %arg11[%dma_wait3A_127, %dma_wait3A_129, %dma_wait3A_130] : memref<2x640x16xf32, #tpu.memory_space<vmem>> -> memref<1x640x16xf32, #tpu.memory_space<vmem>>
    %dma_wait3A_132 = tpu.memref_squeeze %dma_wait3A_131 : memref<1x640x16xf32, #tpu.memory_space<vmem>> -> memref<640x16xf32, #tpu.memory_space<vmem>>
    %dma_wait3A_133 = arith.constant 0 : i32
    %dma_wait3A_134 = arith.constant 0 : i32
    %dma_wait3A_135 = tpu.memref_slice %arg6[%dma_wait3A_133, %dma_wait3A_134] : memref<327680x16xf32, #tpu.memory_space<hbm>> -> memref<640x16xf32, #tpu.memory_space<hbm>>
    %dma_wait3A_136 = tpu.memref_slice %arg13[%dma_wait3A_128] : memref<2x!tpu.dma_semaphore, #tpu.memory_space<semaphore_mem>> -> memref<1x!tpu.dma_semaphore, #tpu.memory_space<semaphore_mem>>
    %dma_wait3A_137 = tpu.memref_squeeze %dma_wait3A_136 : memref<1x!tpu.dma_semaphore, #tpu.memory_space<semaphore_mem>> -> memref<!tpu.dma_semaphore, #tpu.memory_space<semaphore_mem>>
    %dma_wait3A_138 = arith.constant 0 : i32
    %dma_wait3A_139 = arith.constant 0 : i32
    %dma_wait3A_140 = tpu.memref_slice %arg6[%dma_wait3A_138, %dma_wait3A_139] : memref<327680x16xf32, #tpu.memory_space<hbm>> -> memref<640x16xf32, #tpu.memory_space<hbm>>
    %dma_wait3A_141 = arith.constant 0 : i32
    %dma_wait3A_142 = arith.constant 0 : i32
    %dma_wait3A_143 = tpu.memref_slice %arg11[%dma_wait3A_127, %dma_wait3A_141, %dma_wait3A_142] : memref<2x640x16xf32, #tpu.memory_space<vmem>> -> memref<1x640x16xf32, #tpu.memory_space<vmem>>
    %dma_wait3A_144 = tpu.memref_squeeze %dma_wait3A_143 : memref<1x640x16xf32, #tpu.memory_space<vmem>> -> memref<640x16xf32, #tpu.memory_space<vmem>>
    tpu.wait_dma2 semaphore(%dma_wait3A_137 : memref<!tpu.dma_semaphore, #tpu.memory_space<semaphore_mem>>) src(%dma_wait3A_144 : memref<640x16xf32, #tpu.memory_space<vmem>>) dst(%dma_wait3A_140 : memref<640x16xf32, #tpu.memory_space<hbm>>)
    return
  }
}

module attributes {stable_mosaic.version = 14 : i64} {
  func.func @_tc_body(%arg0: i32, %arg1: memref<2048x320xf32, #tpu.memory_space<vmem>>, %arg2: memref<320x20xf32, #tpu.memory_space<vmem>>, %arg3: memref<2048x20xf32, #tpu.memory_space<vmem>>, %arg4: memref<2048x20xf32, #tpu.memory_space<vmem>>, %arg5: memref<1x1xf32, #tpu.memory_space<smem>>) attributes {dimension_semantics = [#tpu.dimension_semantics<arbitrary>], iteration_bounds = array<i64: 8>, scalar_prefetch = 0 : i64, scratch_operands = 0 : i64, tpu.core_type = #tpu.core_type<tc>, window_params = [{transform_indices = @transform_0, window_bounds = array<i64: 2048, 320>}, {pipeline_mode = #tpu.pipeline_mode<synchronous>, transform_indices = @transform_1, window_bounds = array<i64: 320, 20>}, {transform_indices = @transform_2, window_bounds = array<i64: 2048, 20>}, {transform_indices = @transform_3, window_bounds = array<i64: 2048, 20>}, {transform_indices = @transform_4, window_bounds = array<i64: 1, 1>}]} {
    %eq3A = arith.constant 0 : i32
    %eq3A_0 = arith.cmpi eq, %arg0, %eq3A : i32
    %convert_element_type3A = arith.extui %eq3A_0 : i1 to i32
    %cond3A = arith.constant 0 : i32
    %cond3A_1 = arith.cmpi ne, %convert_element_type3A, %cond3A : i32
    scf.if %cond3A_1 {
      %swap3A_35 = arith.constant 0.000000e+00 : f32
      %swap3A_36 = arith.constant 0 : index
      %swap3A_37 = arith.constant 0 : index
      %swap3A_38 = memref.load %arg5[%swap3A_36, %swap3A_37] : memref<1x1xf32, #tpu.memory_space<smem>>
      memref.store %swap3A_35, %arg5[%swap3A_36, %swap3A_37] : memref<1x1xf32, #tpu.memory_space<smem>>
    } else {
    }
    %get3A = arith.constant 0 : index
    %get3A_2 = arith.constant 0 : index
    %get3A_3 = vector.load %arg1[%get3A, %get3A_2] : memref<2048x320xf32, #tpu.memory_space<vmem>>, vector<2048x320xf32>
    %get3A_4 = arith.constant 0 : index
    %get3A_5 = arith.constant 0 : index
    %get3A_6 = vector.load %arg2[%get3A_4, %get3A_5] : memref<320x20xf32, #tpu.memory_space<vmem>>, vector<320x20xf32>
    %dot_general3A = arith.constant dense<0.000000e+00> : vector<2048x20xf32>
    %dot_general3A_7 = tpu.matmul %get3A_3, %get3A_6, %dot_general3A {dimension_numbers = #tpu.dot_dimension_numbers<[1], [0], [0], [1], [0, 0, 1, 1], [], []>, transpose_lhs_hint = false} : vector<2048x320xf32>, vector<320x20xf32>, vector<2048x20xf32> -> vector<2048x20xf32>
    %get3A_8 = arith.constant 0 : index
    %get3A_9 = arith.constant 0 : index
    %get3A_10 = vector.load %arg3[%get3A_8, %get3A_9] : memref<2048x20xf32, #tpu.memory_space<vmem>>, vector<2048x20xf32>
    %get3A_11 = arith.constant 0 : index
    %get3A_12 = arith.constant 0 : index
    %get3A_13 = vector.load %arg4[%get3A_11, %get3A_12] : memref<2048x20xf32, #tpu.memory_space<vmem>>, vector<2048x20xf32>
    %max3A = arith.constant 0.000000e+00 : f32
    %max3A_14 = vector.broadcast %max3A : f32 to vector<2048x20xf32>
    %max3A_15 = arith.maximumf %dot_general3A_7, %max3A_14 : vector<2048x20xf32>
    %mul3A = arith.mulf %dot_general3A_7, %get3A_13 : vector<2048x20xf32>
    %sub3A = arith.subf %max3A_15, %mul3A : vector<2048x20xf32>
    %abs3A = math.absf %dot_general3A_7 : vector<2048x20xf32>
    %neg3A = arith.constant 0.000000e+00 : f32
    %neg3A_16 = vector.broadcast %neg3A : f32 to vector<2048x20xf32>
    %neg3A_17 = arith.subf %neg3A_16, %abs3A : vector<2048x20xf32>
    %exp3A = math.exp %neg3A_17 : vector<2048x20xf32>
    %log1p3A = math.log1p %exp3A : vector<2048x20xf32>
    %add3A = arith.addf %sub3A, %log1p3A : vector<2048x20xf32>
    %mul3A_18 = arith.mulf %get3A_10, %add3A : vector<2048x20xf32>
    %reduce_sum3A = arith.constant dense<0.000000e+00> : vector<2048xf32>
    %reduce_sum3A_19 = vector.multi_reduction <add>, %mul3A_18, %reduce_sum3A [1] : vector<2048x20xf32> to vector<2048xf32>
    %reduce_sum3A_20 = arith.constant dense<0.000000e+00> : vector<2048xf32>
    %reduce_sum3A_21 = vector.multi_reduction <add>, %get3A_10, %reduce_sum3A_20 [1] : vector<2048x20xf32> to vector<2048xf32>
    %get3A_22 = arith.constant 0 : index
    %get3A_23 = arith.constant 0 : index
    %get3A_24 = memref.load %arg5[%get3A_22, %get3A_23] : memref<1x1xf32, #tpu.memory_space<smem>>
    %div3A = arith.divf %reduce_sum3A_19, %reduce_sum3A_21 : vector<2048xf32>
    %reduce_sum3A_25 = vector.shape_cast %div3A : vector<2048xf32> to vector<1x2048xf32>
    %reduce_sum3A_26 = arith.constant dense<0.000000e+00> : vector<1xf32>
    %reduce_sum3A_27 = vector.multi_reduction <add>, %reduce_sum3A_25, %reduce_sum3A_26 [1] : vector<1x2048xf32> to vector<1xf32>
    %reduce_sum3A_28 = vector.shape_cast %reduce_sum3A_27 : vector<1xf32> to vector<1x1xf32>
    %reduce_sum3A_29 = vector.extract %reduce_sum3A_28[0, 0] : f32 from vector<1x1xf32>
    %mul3A_30 = arith.constant 6.10351563E-5 : f32
    %mul3A_31 = arith.mulf %reduce_sum3A_29, %mul3A_30 : f32
    %add3A_32 = arith.addf %get3A_24, %mul3A_31 : f32
    %swap3A = arith.constant 0 : index
    %swap3A_33 = arith.constant 0 : index
    %swap3A_34 = memref.load %arg5[%swap3A, %swap3A_33] : memref<1x1xf32, #tpu.memory_space<smem>>
    memref.store %add3A_32, %arg5[%swap3A, %swap3A_33] : memref<1x1xf32, #tpu.memory_space<smem>>
    return
  }
  func.func @transform_0(%arg0: i32) -> (i32, i32) {
    %c0_i32 = arith.constant 0 : i32
    %c0_i32_0 = arith.constant 0 : i32
    return %arg0, %c0_i32 : i32, i32
  }
  func.func @transform_1(%arg0: i32) -> (i32, i32) {
    %c0_i32 = arith.constant 0 : i32
    %c0_i32_0 = arith.constant 0 : i32
    %c0_i32_1 = arith.constant 0 : i32
    return %c0_i32, %c0_i32_0 : i32, i32
  }
  func.func @transform_2(%arg0: i32) -> (i32, i32) {
    %c0_i32 = arith.constant 0 : i32
    %c0_i32_0 = arith.constant 0 : i32
    return %arg0, %c0_i32 : i32, i32
  }
  func.func @transform_3(%arg0: i32) -> (i32, i32) {
    %c0_i32 = arith.constant 0 : i32
    %c0_i32_0 = arith.constant 0 : i32
    return %arg0, %c0_i32 : i32, i32
  }
  func.func @transform_4(%arg0: i32) -> (i32, i32) {
    %c0_i32 = arith.constant 0 : i32
    %c0_i32_0 = arith.constant 0 : i32
    %c0_i32_1 = arith.constant 0 : i32
    return %c0_i32, %c0_i32_0 : i32, i32
  }
}

</mosaic_0001>

<sc_bundles>
// kernel: kernel.4.cloned.1.call-start
scs
__scs_entry_jumppad:
0x0: {  	(pc) =	sbr.rel $0x88, $3  }
0x1: {  	(tag) =	ssettag $0x0;
	lr =	simm.s32 $0x1  }
0x2: {  	[smem:$0x3F9B] =	sst lr;
	_ =	strace $0xD0000000  }
0x3: {  	_ = 	snop  }
0x4: {  	_ = 	snop  }
0x5: {  	_ = 	snop  }
0x6: {  	_ = 	snop  }
0x7: {  	_ = 	snop  }
__scs_overlays_trampoline_lowered:
0x8: {  	[smem:$0x3FAA] =	sst s0  }
0x9: {  	[smem:$0x3FAB] =	sst s1  }
0xa: {  	[smem:$0x3FAC] =	sst s2  }
0xb: {  	[smem:$0x3FAD] =	sst s3  }
0xc: {  	[smem:$0x3FAE] =	sst s4  }
0xd: {  	[smem:$0x3FAF] =	sst s5  }
0xe: {  	[smem:$0x3FB0] =	sst s6  }
0xf: {  	[smem:$0x3FB1] =	sst s7  }
0x10: {  	[smem:$0x3FB2] =	sst s8  }
0x11: {  	[smem:$0x3FB3] =	sst s9;
	s0 =	simm.s32 @!p0 $0x0  }
0x12: {  	s1 =	sld [smem:$0x3F99];
	s0 =	simm.s32 @p0 $0x1  }
0x13: {  	[smem:$0x3FB4] =	sst s0;
	s0 =	simm.s32 @!p1 $0x0  }
0x14: {  	s2 =	sld [smem:$0x3F98];
	s0 =	simm.s32 @p1 $0x1  }
0x15: {  	[smem:$0x3FB5] =	sst s0;
	s0 =	simm.s32 @!p2 $0x0  }
0x16: {  	s3 =	sld [smem:$0x3FDB];
	s0 =	simm.s32 @p2 $0x1  }
0x17: {  	s4 =	simm.s32 $0x1BF5;
	[smem:$0x3FB7] =	sst s0  }
0x18: {  	s0 =	sld [smem:$0x3F9A];
	_ =	swait.ge [sflag:s4], $0x0  }
0x19: {  	s7 =	sld [smem:$0x3F9B]  }
0x1a: {  	s8 =	sadd.s32 $0xFFFFE003, lr  }
0x1b: {  	s9 =	sadd.s32 $0xFFFFFEF7, lr;
	s5 =	simm.s32 $0xFFFFFFFF;
	p2 =	slt.u32 s8, $0xFFFFF086  }
0x1c: {  	p1 =	slt.u32 s9, $0xF7A;
	s5 =	simm.s32 @!p2 $0x0  }
0x1d: {  	s5 =	simm.s32 @p1 $0x1;
	p0 =	seq.s32 s7, s2  }
0x1e: {  	s7 =	smul.u32 @!p0 $0xF7A, s2;
	p2 =	seq.s32 @!p0 s5, $0x0  }
0x1f: {  	s9 =	smul.u32 $0xF7A, s1;
	s8 =	simm.s32 @!p0 $0x1BF5;
	p2 =	por !p2, p0  }
0x20: {  	[sflag:s8] =	ssyncset.s32 @!p0 $0xFFFFF086;
	s6 =	sadd.s32 @!p0 s3, s7;
	s7 =	simm.s32 @!p0 $0x108  }
0x21: {  	s3 =	sadd.s32 s3, s9;
	s6 =	sadd.s32 @!p0 $0x88, s6;
	s7 =	simm.s32 @p2 $0x1082  }
0x22: {  	[simem:s7], [sflag:s8] =	dma.local @!p0 [hbm:s6], $0xF7A  }
0x23: {  	s9 =	sor.u32 $0xD0000000, s2;
	s6 =	simm.s32 $0x108;
	_ =	swait.ge @!p0 [sflag:s8], $0x0  }
0x24: {  	s3 =	sadd.s32 $0x88, s3;
	s6 =	simm.s32 @!p1 $0x1082;
	[sflag:s4] =	ssyncset.s32 $0xFFFFF086  }
0x25: {  	[simem:s6], [sflag:s4] =	dma.local [hbm:s3], $0xF7A  }
0x26: {  	[smem:$0x3F9B] =	sst s1;
	(tag) =	ssettag s2;
	_ =	strace s9  }
0x27: {  	s1 =	sld [smem:$0x3FAB]  }
0x28: {  	s2 =	sld [smem:$0x3FAC]  }
0x29: {  	s4 =	sld [smem:$0x3FAE]  }
0x2a: {  	p0 =	seq.s32 s5, $0x0;
	s5 =	sld [smem:$0x3FAF]  }
0x2b: {  	s6 =	sld [smem:$0x3FB0]  }
0x2c: {  	s7 =	sld [smem:$0x3FB1]  }
0x2d: {  	s3 =	simm.s32 $0x108;
	s8 =	sld [smem:$0x3FB2]  }
0x2e: {  	s3 =	simm.s32 @!p0 $0x1082;
	s9 =	sld [smem:$0x3FB3]  }
0x2f: {  	lr =	sadd.s32 s0, s3;
	s0 =	sld [smem:$0x3FAA]  }
0x30: {  	s3 =	sld [smem:$0x3FAD]  }
0x31: {  	[smem:$0x3FB6] =	sst s10  }
0x32: {  	s10 =	sld [smem:$0x3FB4];
	_ =	sdelay $0x3  }
0x33: {  	p0 =	seq.s32 s10, $0x1;
	s10 =	sld [smem:$0x3FB6];
	_ =	sdelay $0x3  }
0x34: {  	[smem:$0x3FB6] =	sst s10  }
0x35: {  	s10 =	sld [smem:$0x3FB5];
	_ =	sdelay $0x3  }
0x36: {  	p1 =	seq.s32 s10, $0x1;
	s10 =	sld [smem:$0x3FB6];
	_ =	sdelay $0x3  }
0x37: {  	[smem:$0x3FB6] =	sst s10  }
0x38: {  	s10 =	sld [smem:$0x3FB7]  }
0x39: {  	_ = 	snop;
	(pc) =	sbr.ind lr, $3  }
0x3a: {  	_ = 	snop  }
0x3b: {  	_ = 	snop  }
0x3c: {  	p2 =	seq.s32 s10, $0x1;
	s10 =	sld [smem:$0x3FB6]  }
0x3d: {  	_ =	shalt  }
0x3e: {  	_ =	shalt  }
0x3f: {  	_ =	shalt  }
0x40: {  	_ =	shalt  }
0x41: {  	_ =	shalt  }
0x42: {  	_ =	shalt  }
0x43: {  	_ =	shalt  }
0x44: {  	_ =	shalt  }
0x45: {  	_ =	shalt  }
0x46: {  	_ =	shalt  }
0x47: {  	_ =	shalt  }
0x48: {  	_ =	shalt  }
0x49: {  	_ =	shalt  }
0x4a: {  	_ =	shalt  }
0x4b: {  	_ =	shalt  }
0x4c: {  	_ =	shalt  }
0x4d: {  	_ =	shalt  }
0x4e: {  	_ =	shalt  }
0x4f: {  	_ =	shalt  }
0x50: {  	_ =	shalt  }
0x51: {  	_ =	shalt  }
0x52: {  	_ =	shalt  }
0x53: {  	_ =	shalt  }
0x54: {  	_ =	shalt  }
0x55: {  	_ =	shalt  }
0x56: {  	_ =	shalt  }
0x57: {  	_ =	shalt  }
0x58: {  	_ =	shalt  }
0x59: {  	_ =	shalt  }
0x5a: {  	_ =	shalt  }
0x5b: {  	_ =	shalt  }
0x5c: {  	_ =	shalt  }
0x5d: {  	_ =	shalt  }
0x5e: {  	_ =	shalt  }
0x5f: {  	_ =	shalt  }
0x60: {  	_ =	shalt  }
0x61: {  	_ =	shalt  }
0x62: {  	_ =	shalt  }
0x63: {  	_ =	shalt  }
0x64: {  	_ =	shalt  }
0x65: {  	_ =	shalt  }
0x66: {  	_ =	shalt  }
0x67: {  	_ =	shalt  }
0x68: {  	_ =	shalt  }
0x69: {  	_ =	shalt  }
0x6a: {  	_ =	shalt  }
0x6b: {  	_ =	shalt  }
0x6c: {  	_ =	shalt  }
0x6d: {  	_ =	shalt  }
0x6e: {  	_ =	shalt  }
0x6f: {  	_ =	shalt  }
0x70: {  	_ =	shalt  }
0x71: {  	_ =	shalt  }
0x72: {  	_ =	shalt  }
0x73: {  	_ =	shalt  }
0x74: {  	_ =	shalt  }
0x75: {  	_ =	shalt  }
0x76: {  	_ =	shalt  }
0x77: {  	_ =	shalt  }
0x78: {  	_ =	shalt  }
0x79: {  	_ =	shalt  }
0x7a: {  	_ =	shalt  }
0x7b: {  	_ =	shalt  }
0x7c: {  	_ =	shalt  }
0x7d: {  	_ =	shalt  }
0x7e: {  	_ =	shalt  }
0x7f: {  	_ =	shalt  }
0x80: {  	_ =	shalt  }
0x81: {  	_ =	shalt  }
0x82: {  	_ =	shalt  }
0x83: {  	_ =	shalt  }
0x84: {  	_ =	shalt  }
0x85: {  	_ =	shalt  }
0x86: {  	_ =	shalt  }
0x87: {  	_ =	shalt  }
.Lfunc_end0:
.L_simem_size_0:
called_computation_lowered:
.L_overlay_start_0:
0x88: {  	s2 =	sld [smem:$0x3FD9]  }
0x89: {  	s3 =	sld [smem:$0x3FFE];
	_ =	sdelay $0x1  }
0x8a: {  	s1 =	srdreg.scid  }
0x8b: {  	s0 =	sand.u32 $0x1, s1  }
0x8c: {  	s17 =	sshll.u32 s0, $0xA;
	s2 =	sadd.s32 s3, s2  }
0x8d: {  	s2 =	sadd.s32 s2, s17  }
0x8e: {  	[smem:$0x3FC2] =	sst s2  }
0x8f: {  	_ = 	snop  }
0x90: {  	s2 =	sld [smem:$0x3FC9];
	(tm) =	ssettm $0x1  }
0x91: {  	s18 =	sld [smem:$0x3FFB];
	_ =	sdelay $0x3  }
0x92: {  	_ =	strace s18  }
0x93: {  	s3 =	sld [smem:$0x3FFC];
	_ =	sdelay $0x3  }
0x94: {  	_ =	strace s3  }
0x95: {  	s3 =	sld [smem:$0x3FFD];
	_ =	sdelay $0x3  }
0x96: {  	_ =	strace s3  }
0x97: {  	_ =	strace $0x8FFFFFFF  }
0x98: {  	s19 =	sld [smem:$0x3FDB];
	_ =	sdelay $0x1  }
0x99: {  	s4 =	simm.s32 $_scs_section_size  }
0x9a: {  	s5 =	simm.s32 $_size__tile_overlayer_lowered;
	s6 =	simm.s32 $_tile_overlayer_lowered  }
0x9b: {  	s22 =	simm.s32 $0x1BFF;
	s21 =	sshll.u32 s6, $0x1;
	s3 =	sadd.s32 s4, s19  }
0x9c: {  	s7 =	simm.s32 $0x0;
	s20 =	sshll.u32 s5, $0x1;
	s5 =	sadd.s32 s21, s3  }
0x9d: {  	[timem:s7], [sflag:s22] =	dma.local [hbm:s5], s20  }
0x9e: {  	_ =	swait.ge [sflag:s22], s20  }
0x9f: {  	s4 =	ssub.s32 $0x0, s20;
	[sflag:s22] =	ssyncset.done $0x0  }
0xa0: {  	[sflag:s22] =	ssyncadd.s32 s4;
	_ =	sdelay $0x1  }
0xa1: {  	s23 =	simm.s32 $0x1B8B  }
0xa2: {  	_ =	swait.ge [sflag:s23], $0x1  }
0xa3: {  	[sflag:s23] =	ssyncset.done $0x0  }
0xa4: {  	s25 =	simm.s32 $0x1B8E;
	s24 =	sld [smem:$0x3FFE];
	[sflag:s23] =	ssyncadd.s32 $0xFFFFFFFF  }
0xa5: {  	s26 =	simm.s32 $execute0_lowered;
	[smem:$0x3FD2] =	sst s25  }
0xa6: {  	s5 =	sshll.u32 s26, $0x1;
	_ =	strace $0x80000046;
	[dreg:$0x1] =	wrdreg $0xFFFFFFFF  }
0xa7: {  	s28 =	simm.s32 $_size_execute0_lowered;
	s3 =	sadd.s32 s3, s5;
	[dreg:$0x0] =	wrdreg $0x0  }
0xa8: {  	s5 =	sshll.u32 s28, $0x1;
	[dreg:$0x2] =	wrdreg s3  }
0xa9: {  	[dreg:$0x3] =	wrdreg s5  }
0xaa: {  	[dreg:$0x4] =	wrdreg $0xC0  }
0xab: {  	_ =	task [dreg:s7], $0x5FFFF  }
0xac: {  	[dreg:$0x1] =	wrdreg $0xFFFFFFFF  }
0xad: {  	[dreg:$0x0] =	wrdreg $0x60  }
0xae: {  	[dreg:$0x2] =	wrdreg s2  }
0xaf: {  	[dreg:$0x3] =	wrdreg s24  }
0xb0: {  	[dreg:$0x4] =	wrdreg $0x9  }
0xb1: {  	_ =	task.clear_ibuf [dreg:s7], $0x5FFFF;
	_ =	strace $0x90000046  }
0xb2: {  	s29 =	simm.s32 $0x9;
	_ =	strace $0x80000048  }
0xb3: {  	_ =	swait.ge [sflag:s29], $0x1  }
0xb4: {  	[sflag:s29] =	ssyncadd.s32 $0xFFFFFFFF  }
0xb5: {  	_ =	strace $0x90000048  }
0xb6: {  	_ =	sfence  }
0xb7: {  	s30 =	sld [smem:$0x0];
	_ =	sdelay $0x2  }
0xb8: {  	s31 =	sshll.u32 s1, $0xD;
	s1 =	sshrl.u32 s1, $0x2  }
0xb9: {  	s3 =	sand.u32 $0x4000, s31;
	s1 =	sadd.s32 s1, s30  }
0xba: {  	s0 =	sor.u32 s3, s0;
	s1 =	sshll.u32 s1, $0x11  }
0xbb: {  	s0 =	sor.u32 s1, s0  }
0xbc: {  	s0 =	sadd.s32 $0x8F2B, s0  }
0xbd: {  	[sflag:s0] =	ssyncadd.remote.s32 $0x1  }
0xbe: {  	_ =	sfence.sel $0xFFFF  }
0xbf: {  	[dreg:$0x0] =	wrdreg $0xFFFFFFFF;
	(pc) =	sbr.abs _section_cstart, $3  }
0xc0: {  	[dreg:$0x1] =	wrdreg $0xFFFFFFFF  }
0xc1: {  	_ =	task.clear_ibuf [dreg:s7], $0x2FFFF;
	_ =	strace $0x9FFFFFFF  }
0xc2: {  	(tm) =	ssettm $0x7FFFFFFF  }
0xc3: {  	_ =	shalt  }
tec
execute0_lowered:
.L_overlay_start_1:
0x0: {  	(tag) =	ssettag $0x1  }
0x1: {  	s0 =	srdreg.scid  }
0x2: {  	s1 =	stileid.u32;
	s7 =	rddreg [dreg:$0x0]  }
0x3: {  	s6 =	rddreg [dreg:$0x1];
	s3 =	simm.s32 $0x0;
	s10 =	simm.s32 $0x5  }
0x4: {  	s11 =	simm.s32 $0x200;
	s14 =	simm.s32 $0x80;
	s17 =	simm.s32 $0x5A00  }
0x5: {  	s18 =	simm.s32 $0x300;
	s19 =	simm.s32 $0x7A00;
	s20 =	simm.s32 $0x380  }
0x6: {  	s21 =	simm.s32 $0x9A00;
	s22 =	simm.s32 $0x400;
	s23 =	simm.s32 $0xBA00  }
0x7: {  	s24 =	simm.s32 $0x3;
	s0 =	sand.u32 $0x1, s0;
	s1 =	sshll.u32 s1, $0x1  }
0x8: {  	s25 =	simm.s32 $0x4;
	s26 =	simm.s32 $0x0;
	s1 =	sor.u32 s0, s1  }
0x9: {  	[smem:$0x7FF] =	sst s3;
	s0 =	ssub.s32 $0x2, s0;
	s2 =	smul.u32 $0x2800, s1  }
0xa: {  	s5 =	sadd.s32 $0xF43000, s6;
	_ =	strace $0x80000047;
	s9 =	sshrl.u32 s0, $0x1  }
0xb: {  	s1 =	sshll.u32 s1, $0x6;
	s0 =	ssub.s32 s0, s9;
	s4 =	sshrl.u32 s2, $0x3  }
0xc: {  	s7 =	sadd.s32 s7, s1;
	s9 =	smax.u32 s0, $0x1;
	s8 =	sadd.s32 s4, s6  }
0xd: {  	s4 =	sadd.s32 $0x16E4200, s6;
	s6 =	sadd.s32 $0xAC00, s6;
	s8 =	sadd.s32 $0xC00, s8  }
.LBB2_1:
0xe: {  	[tilespmem:s3], [sflag:$0x5] =	stream.linear.gather [hbm4b:s7+s3], $0x200, $0x38;
	[tilespmem:$0x1CA00] =	vst v63  }
0xf: {  	_ =	swait.ge [sflag:s10], $0x200  }
0x10: {  	[sflag:s10] =	ssyncset.done $0x0  }
0x11: {  	[sflag:s10] =	ssyncadd.s32 $0xFFFFFE00  }
0x12: {  	[tilespmem:s11], [sflag:$0x5] =	stream.linear.gather [hbm4b:s8+s3], $0x2800, $0x38;
	[tilespmem:$0x1CA00] =	vst v63  }
0x13: {  	_ =	swait.ge [sflag:s10], $0x2800  }
0x14: {  	[sflag:s10] =	ssyncset.done $0x0  }
0x15: {  	s0 =	simm.s32 $0x20;
	s1 =	simm.s32 $0x2A00;
	[sflag:s10] =	ssyncadd.s32 $0xFFFFD800  }
0x16: {  	[tilespmem:s1], [sflag:$0x1] =	stream.indirect.gather [hbm4b:s4+s0], $0x40, s3, s0, $0xb8;
	[tilespmem:$0x1CA00] =	vst v63  }
0x17: {  	s30 =	simm.s32 $0x3A00  }
0x18: {  	[tilespmem:s30], [sflag:$0x1] =	stream.indirect.gather [hbm4b:s5+s14], $0x40, s11, s14, $0xb8;
	[tilespmem:$0x1CA00] =	vst v63  }
0x19: {  	s31 =	simm.s32 $0x280  }
0x1a: {  	[tilespmem:s17], [sflag:$0x1] =	stream.indirect.gather [hbm4b:s5+s14], $0x40, s31, s14, $0xb8;
	[tilespmem:$0x1CA00] =	vst v63  }
0x1b: {  	_ = 	snop  }
0x1c: {  	[tilespmem:s19], [sflag:$0x1] =	stream.indirect.gather [hbm4b:s5+s14], $0x40, s18, s14, $0xb8;
	[tilespmem:$0x1CA00] =	vst v63  }
0x1d: {  	_ = 	snop  }
0x1e: {  	[tilespmem:s21], [sflag:$0x1] =	stream.indirect.gather [hbm4b:s5+s14], $0x40, s20, s14, $0xb8;
	[tilespmem:$0x1CA00] =	vst v63  }
0x1f: {  	p0 =	por $0x0, $0x0;
	s28 =	simm.s32 $0x0  }
0x20: {  	[tilespmem:s23], [sflag:$0x1] =	stream.indirect.gather [hbm4b:s5+s14], $0x40, s22, s14, $0xb8;
	[tilespmem:$0x1CA00] =	vst v63  }
.LBB2_2:
0x21: {  	s0 =	smov.u32 s28  }
0x22: {  	s29 =	sand.u32 $0x1, s28;
	p1 =	seq.s32 s28, $0xF;
	s28 =	sadd.s32 $0x1, s28  }
0x23: {  	s1 =	sxor.u32 @!p1 $0x1, s29;
	s13 =	sshll.u32 @!p1 s28, $0x5;
	s30 =	simm.s32 @!p1 $0x20  }
0x24: {  	s31 =	smul.u32 @!p1 $0xA00, s28;
	s12 =	sshll.u32 @!p1 s1, $0xB;
	s13 =	sand.u32 @!p1 $0x3FFFFFE0, s13  }
0x25: {  	s15 =	smul.u32 @!p1 $0x28000, s1;
	s1 =	sadd.s32 @!p1 $0x1, s1;
	s12 =	sadd.s32 @!p1 $0x2A00, s12  }
0x26: {  	[tilespmem:s12], [sflag:s1] =	stream.indirect.gather @!p1 [hbm4b:s4+s30], $0x40, s13, s30, $0xb8;
	[tilespmem:$0x1CA00] =	vst v63  }
0x27: {  	s12 =	sshrl.u32 @!p1 s15, $0x2;
	s13 =	sshra.s32 @!p1 s31, $0x2  }
0x28: {  	s31 =	simm.s32 @!p1 $0x80;
	s15 =	sadd.s32 @!p1 $0x3A00, s12;
	s30 =	sadd.s32 @!p1 $0x200, s13  }
0x29: {  	[tilespmem:s15], [sflag:s1] =	stream.indirect.gather @!p1 [hbm4b:s5+s31], $0x40, s30, s31, $0xb8;
	[tilespmem:$0x1CA00] =	vst v63  }
0x2a: {  	s15 =	sadd.s32 @!p1 $0x5A00, s12;
	s30 =	sadd.s32 @!p1 $0x280, s13  }
0x2b: {  	[tilespmem:s15], [sflag:s1] =	stream.indirect.gather @!p1 [hbm4b:s5+s31], $0x40, s30, s31, $0xb8;
	[tilespmem:$0x1CA00] =	vst v63  }
0x2c: {  	s15 =	sadd.s32 @!p1 $0x7A00, s12;
	s30 =	sadd.s32 @!p1 $0x300, s13  }
0x2d: {  	[tilespmem:s15], [sflag:s1] =	stream.indirect.gather @!p1 [hbm4b:s5+s31], $0x40, s30, s31, $0xb8;
	[tilespmem:$0x1CA00] =	vst v63  }
0x2e: {  	s15 =	sadd.s32 @!p1 $0x9A00, s12;
	s30 =	sadd.s32 @!p1 $0x380, s13  }
0x2f: {  	[tilespmem:s15], [sflag:s1] =	stream.indirect.gather @!p1 [hbm4b:s5+s31], $0x40, s30, s31, $0xb8;
	[tilespmem:$0x1CA00] =	vst v63  }
0x30: {  	s12 =	sadd.s32 @!p1 $0xBA00, s12;
	s13 =	sadd.s32 @!p1 $0x400, s13  }
0x31: {  	[tilespmem:s12], [sflag:s1] =	stream.indirect.gather @!p1 [hbm4b:s5+s31], $0x40, s13, s31, $0xb8;
	[tilespmem:$0x1CA00] =	vst v63  }
0x32: {  	s1 =	sadd.s32 $0x1, s29  }
0x33: {  	_ =	swait.ge [sflag:s1], $0x800  }
0x34: {  	s12 =	simm.s32 $0x1;
	[sflag:s1] =	ssyncset.done $0x0  }
0x35: {  	s12 =	simm.s32 @!p0 $0x0;
	[sflag:s1] =	ssyncadd.s32 $0xFFFFF800  }
0x36: {  	s15 =	sshll.u32 s12, $0xB;
	_ =	swait.ge [sflag:s1], $0xA000  }
0x37: {  	p1 =	slt.u32 s0, $0x2;
	s13 =	sadd.s32 $0x2A00, s15;
	[sflag:s1] =	ssyncset.done $0x0  }
0x38: {  	s16 =	smul.u32 $0x28000, s12;
	v0 =	vmov s13;
	[sflag:s1] =	ssyncadd.s32 $0xFFFF6000;
	s1 =	sadd.s32 @!p1 $0x3, s29  }
0x39: {  	_ =	swait.ge @!p1 [sflag:s1], $0x2800  }
0x3a: {  	s16 =	sshrl.u32 s16, $0x2;
	[sflag:s1] =	ssyncset.done @!p1 $0x0  }
0x3b: {  	s30 =	sadd.s32 $0x3C80, s16;
	[sflag:s1] =	ssyncadd.s32 @!p1 $0xFFFFD800  }
0x3c: {  	s13 =	simm.s32 $0x0;
	v5 =	vld [tilespmem:s30+$0xFFFFFD80]  }
0x3d: {  	v2 =	vld.idx.msk [tilespmem:v0+s13+$0x0 ss:$0x1], $0xffff  }
0x3e: {  	v3 =	vld.idx.msk [tilespmem:v0+s13+$0x10 ss:$0x1], $0xffff  }
0x3f: {  	v6 =	vld [tilespmem:s30+$0xFFFFFD90]  }
0x40: {  	v4 =	vld.idx.msk [tilespmem:v0+s13+$0x20 ss:$0x1], $0xffff  }
0x41: {  	v7 =	vld [tilespmem:s30+$0xFFFFFDA0]  }
0x42: {  	v8 =	vld [tilespmem:s30+$0xFFFFFDB0]  }
0x43: {  	v1 =	vld.idx.msk [tilespmem:v0+s13+$0x30 ss:$0x1], $0xffff  }
0x44: {  	v5 =	vmul.f32 v5, v2;
	v6 =	vmul.f32 v6, v3;
	_ =	sdelay $0x1  }
0x45: {  	v5 =	vadd.f32 v6, v5;
	v6 =	vmul.f32 v7, v4;
	_ =	sdelay $0x1  }
0x46: {  	s15 =	smul.u32 $0xA000, s12;
	v7 =	vmul.f32 v8, v1;
	v5 =	vadd.f32 v6, v5;
	_ =	sdelay $0x1  }
0x47: {  	s1 =	sshrl.u32 s15, $0x2;
	v5 =	vadd.f32 v7, v5  }
0x48: {  	s31 =	sadd.s32 $0x17AA0, s1  }
0x49: {  	[tilespmem:s31+$0xFFFFFF60] =	vst v5  }
0x4a: {  	v5 =	vld [tilespmem:s30+$0xFFFFFDC0]  }
0x4b: {  	v6 =	vld [tilespmem:s30+$0xFFFFFDD0];
	_ =	sdelay $0x1  }
0x4c: {  	v7 =	vld [tilespmem:s30+$0xFFFFFDE0];
	_ =	sdelay $0x1  }
0x4d: {  	v8 =	vld [tilespmem:s30+$0xFFFFFDF0]  }
0x4e: {  	v5 =	vmul.f32 v5, v2;
	v6 =	vmul.f32 v6, v3;
	_ =	sdelay $0x1  }
0x4f: {  	v5 =	vadd.f32 v6, v5;
	v6 =	vmul.f32 v7, v4;
	_ =	sdelay $0x1  }
0x50: {  	v5 =	vadd.f32 v6, v5;
	v6 =	vmul.f32 v8, v1;
	_ =	sdelay $0x1  }
0x51: {  	v5 =	vadd.f32 v6, v5;
	_ =	sdelay $0x1  }
0x52: {  	[tilespmem:s31+$0xFFFFFF70] =	vst v5  }
0x53: {  	v5 =	vld [tilespmem:s30+$0xFFFFFE00]  }
0x54: {  	v6 =	vld [tilespmem:s30+$0xFFFFFE10];
	_ =	sdelay $0x1  }
0x55: {  	v7 =	vld [tilespmem:s30+$0xFFFFFE20];
	_ =	sdelay $0x1  }
0x56: {  	v8 =	vld [tilespmem:s30+$0xFFFFFE30]  }
0x57: {  	v5 =	vmul.f32 v5, v2;
	v6 =	vmul.f32 v6, v3;
	_ =	sdelay $0x1  }
0x58: {  	v5 =	vadd.f32 v6, v5;
	v6 =	vmul.f32 v7, v4;
	_ =	sdelay $0x1  }
0x59: {  	v5 =	vadd.f32 v6, v5;
	v6 =	vmul.f32 v8, v1;
	_ =	sdelay $0x1  }
0x5a: {  	v5 =	vadd.f32 v6, v5;
	_ =	sdelay $0x1  }
0x5b: {  	[tilespmem:s31+$0xFFFFFF80] =	vst v5  }
0x5c: {  	v5 =	vld [tilespmem:s30+$0xFFFFFE40]  }
0x5d: {  	v6 =	vld [tilespmem:s30+$0xFFFFFE50];
	_ =	sdelay $0x1  }
0x5e: {  	v7 =	vld [tilespmem:s30+$0xFFFFFE60];
	_ =	sdelay $0x1  }
0x5f: {  	v8 =	vld [tilespmem:s30+$0xFFFFFE70]  }
0x60: {  	v5 =	vmul.f32 v5, v2;
	v6 =	vmul.f32 v6, v3;
	_ =	sdelay $0x1  }
0x61: {  	v7 =	vmul.f32 v7, v4;
	v5 =	vadd.f32 v6, v5;
	_ =	sdelay $0x1  }
0x62: {  	v6 =	vmul.f32 v8, v1;
	v5 =	vadd.f32 v7, v5;
	_ =	sdelay $0x1  }
0x63: {  	v5 =	vadd.f32 v6, v5;
	_ =	sdelay $0x1  }
0x64: {  	[tilespmem:s31+$0xFFFFFF90] =	vst v5  }
0x65: {  	v5 =	vld [tilespmem:s30+$0xFFFFFE90]  }
0x66: {  	v6 =	vld [tilespmem:s30+$0xFFFFFE80];
	_ =	sdelay $0x1  }
0x67: {  	v7 =	vld [tilespmem:s30+$0xFFFFFEA0];
	_ =	sdelay $0x1  }
0x68: {  	v8 =	vld [tilespmem:s30+$0xFFFFFEB0]  }
0x69: {  	v5 =	vmul.f32 v5, v3;
	v6 =	vmul.f32 v6, v2;
	_ =	sdelay $0x1  }
0x6a: {  	v7 =	vmul.f32 v7, v4;
	v5 =	vadd.f32 v5, v6;
	_ =	sdelay $0x1  }
0x6b: {  	v6 =	vmul.f32 v8, v1;
	v5 =	vadd.f32 v7, v5;
	_ =	sdelay $0x1  }
0x6c: {  	v5 =	vadd.f32 v6, v5;
	_ =	sdelay $0x1  }
0x6d: {  	[tilespmem:s31+$0xFFFFFFA0] =	vst v5  }
0x6e: {  	v5 =	vld [tilespmem:s30+$0xFFFFFEC0]  }
0x6f: {  	v6 =	vld [tilespmem:s30+$0xFFFFFED0];
	_ =	sdelay $0x1  }
0x70: {  	v7 =	vld [tilespmem:s30+$0xFFFFFEE0];
	_ =	sdelay $0x1  }
0x71: {  	v8 =	vld [tilespmem:s30+$0xFFFFFEF0]  }
0x72: {  	v5 =	vmul.f32 v5, v2;
	v6 =	vmul.f32 v6, v3;
	_ =	sdelay $0x1  }
0x73: {  	v7 =	vmul.f32 v7, v4;
	v5 =	vadd.f32 v6, v5;
	_ =	sdelay $0x1  }
0x74: {  	v6 =	vmul.f32 v8, v1;
	v5 =	vadd.f32 v7, v5;
	_ =	sdelay $0x1  }
0x75: {  	v5 =	vadd.f32 v6, v5;
	_ =	sdelay $0x1  }
0x76: {  	[tilespmem:s31+$0xFFFFFFB0] =	vst v5  }
0x77: {  	v5 =	vld [tilespmem:s30+$0xFFFFFF00]  }
0x78: {  	v6 =	vld [tilespmem:s30+$0xFFFFFF10];
	_ =	sdelay $0x1  }
0x79: {  	v7 =	vld [tilespmem:s30+$0xFFFFFF20];
	_ =	sdelay $0x1  }
0x7a: {  	v8 =	vld [tilespmem:s30+$0xFFFFFF30]  }
0x7b: {  	v5 =	vmul.f32 v5, v2;
	v6 =	vmul.f32 v6, v3;
	_ =	sdelay $0x1  }
0x7c: {  	v7 =	vmul.f32 v7, v4;
	v5 =	vadd.f32 v6, v5;
	_ =	sdelay $0x1  }
0x7d: {  	v6 =	vmul.f32 v8, v1;
	v5 =	vadd.f32 v7, v5;
	_ =	sdelay $0x1  }
0x7e: {  	v5 =	vadd.f32 v6, v5;
	_ =	sdelay $0x1  }
0x7f: {  	[tilespmem:s31+$0xFFFFFFC0] =	vst v5  }
0x80: {  	v5 =	vld [tilespmem:s30+$0xFFFFFF40]  }
0x81: {  	v6 =	vld [tilespmem:s30+$0xFFFFFF50];
	_ =	sdelay $0x1  }
0x82: {  	v7 =	vld [tilespmem:s30+$0xFFFFFF60];
	_ =	sdelay $0x1  }
0x83: {  	v8 =	vld [tilespmem:s30+$0xFFFFFF70]  }
0x84: {  	v5 =	vmul.f32 v5, v2;
	v6 =	vmul.f32 v6, v3;
	_ =	sdelay $0x1  }
0x85: {  	v7 =	vmul.f32 v7, v4;
	v5 =	vadd.f32 v6, v5;
	_ =	sdelay $0x1  }
0x86: {  	v6 =	vmul.f32 v8, v1;
	v5 =	vadd.f32 v7, v5;
	_ =	sdelay $0x1  }
0x87: {  	v5 =	vadd.f32 v6, v5;
	_ =	sdelay $0x1  }
0x88: {  	[tilespmem:s31+$0xFFFFFFD0] =	vst v5  }
0x89: {  	v5 =	vld [tilespmem:s30+$0xFFFFFF80]  }
0x8a: {  	v6 =	vld [tilespmem:s30+$0xFFFFFF90];
	_ =	sdelay $0x1  }
0x8b: {  	v7 =	vld [tilespmem:s30+$0xFFFFFFA0];
	_ =	sdelay $0x1  }
0x8c: {  	v8 =	vld [tilespmem:s30+$0xFFFFFFB0]  }
0x8d: {  	v5 =	vmul.f32 v5, v2;
	v6 =	vmul.f32 v6, v3;
	_ =	sdelay $0x1  }
0x8e: {  	v7 =	vmul.f32 v7, v4;
	v5 =	vadd.f32 v6, v5;
	_ =	sdelay $0x1  }
0x8f: {  	v6 =	vmul.f32 v8, v1;
	v5 =	vadd.f32 v7, v5;
	_ =	sdelay $0x1  }
0x90: {  	v5 =	vadd.f32 v6, v5;
	_ =	sdelay $0x1  }
0x91: {  	[tilespmem:s31+$0xFFFFFFE0] =	vst v5  }
0x92: {  	v5 =	vld [tilespmem:s30+$0xFFFFFFC0]  }
0x93: {  	v6 =	vld [tilespmem:s30+$0xFFFFFFD0];
	_ =	sdelay $0x1  }
0x94: {  	v7 =	vld [tilespmem:s30+$0xFFFFFFE0];
	_ =	sdelay $0x1  }
0x95: {  	v8 =	vld [tilespmem:s30+$0xFFFFFFF0]  }
0x96: {  	v5 =	vmul.f32 v5, v2;
	v6 =	vmul.f32 v6, v3;
	_ =	sdelay $0x1  }
0x97: {  	v7 =	vmul.f32 v7, v4;
	v5 =	vadd.f32 v6, v5;
	_ =	sdelay $0x1  }
0x98: {  	v6 =	vmul.f32 v8, v1;
	v5 =	vadd.f32 v7, v5;
	_ =	sdelay $0x1  }
0x99: {  	v5 =	vadd.f32 v6, v5;
	_ =	sdelay $0x1  }
0x9a: {  	[tilespmem:s31+$0xFFFFFFF0] =	vst v5  }
0x9b: {  	v5 =	vld [tilespmem:s30+$0x0]  }
0x9c: {  	v6 =	vld [tilespmem:s30+$0x10];
	_ =	sdelay $0x1  }
0x9d: {  	v7 =	vld [tilespmem:s30+$0x20];
	_ =	sdelay $0x1  }
0x9e: {  	v8 =	vld [tilespmem:s30+$0x30]  }
0x9f: {  	v5 =	vmul.f32 v5, v2;
	v6 =	vmul.f32 v6, v3;
	_ =	sdelay $0x1  }
0xa0: {  	v7 =	vmul.f32 v7, v4;
	v5 =	vadd.f32 v6, v5;
	_ =	sdelay $0x1  }
0xa1: {  	v6 =	vmul.f32 v8, v1;
	v5 =	vadd.f32 v7, v5;
	_ =	sdelay $0x1  }
0xa2: {  	v5 =	vadd.f32 v6, v5;
	_ =	sdelay $0x1  }
0xa3: {  	[tilespmem:s31+$0x0] =	vst v5  }
0xa4: {  	v5 =	vld [tilespmem:s30+$0x40]  }
0xa5: {  	v6 =	vld [tilespmem:s30+$0x50];
	_ =	sdelay $0x1  }
0xa6: {  	v7 =	vld [tilespmem:s30+$0x60];
	_ =	sdelay $0x1  }
0xa7: {  	v8 =	vld [tilespmem:s30+$0x70]  }
0xa8: {  	v5 =	vmul.f32 v5, v2;
	v6 =	vmul.f32 v6, v3;
	_ =	sdelay $0x1  }
0xa9: {  	v7 =	vmul.f32 v7, v4;
	v5 =	vadd.f32 v6, v5;
	_ =	sdelay $0x1  }
0xaa: {  	v6 =	vmul.f32 v8, v1;
	v5 =	vadd.f32 v7, v5;
	_ =	sdelay $0x1  }
0xab: {  	v5 =	vadd.f32 v6, v5;
	_ =	sdelay $0x1  }
0xac: {  	[tilespmem:s31+$0x10] =	vst v5  }
0xad: {  	v5 =	vld [tilespmem:s30+$0x80]  }
0xae: {  	v6 =	vld [tilespmem:s30+$0x90];
	_ =	sdelay $0x1  }
0xaf: {  	v7 =	vld [tilespmem:s30+$0xA0];
	_ =	sdelay $0x1  }
0xb0: {  	v8 =	vld [tilespmem:s30+$0xB0]  }
0xb1: {  	v5 =	vmul.f32 v5, v2;
	v6 =	vmul.f32 v6, v3;
	_ =	sdelay $0x1  }
0xb2: {  	v7 =	vmul.f32 v7, v4;
	v5 =	vadd.f32 v6, v5;
	_ =	sdelay $0x1  }
0xb3: {  	v6 =	vmul.f32 v8, v1;
	v5 =	vadd.f32 v7, v5;
	_ =	sdelay $0x1  }
0xb4: {  	v5 =	vadd.f32 v6, v5;
	_ =	sdelay $0x1  }
0xb5: {  	[tilespmem:s31+$0x20] =	vst v5  }
0xb6: {  	v5 =	vld [tilespmem:s30+$0xC0]  }
0xb7: {  	v6 =	vld [tilespmem:s30+$0xD0];
	_ =	sdelay $0x1  }
0xb8: {  	v7 =	vld [tilespmem:s30+$0xE0];
	_ =	sdelay $0x1  }
0xb9: {  	v8 =	vld [tilespmem:s30+$0xF0]  }
0xba: {  	v5 =	vmul.f32 v5, v2;
	v6 =	vmul.f32 v6, v3;
	_ =	sdelay $0x1  }
0xbb: {  	v7 =	vmul.f32 v7, v4;
	v5 =	vadd.f32 v6, v5;
	_ =	sdelay $0x1  }
0xbc: {  	v6 =	vmul.f32 v8, v1;
	v5 =	vadd.f32 v7, v5;
	_ =	sdelay $0x1  }
0xbd: {  	v5 =	vadd.f32 v6, v5;
	_ =	sdelay $0x1  }
0xbe: {  	[tilespmem:s31+$0x30] =	vst v5  }
0xbf: {  	v5 =	vld [tilespmem:s30+$0x100]  }
0xc0: {  	v6 =	vld [tilespmem:s30+$0x110];
	_ =	sdelay $0x1  }
0xc1: {  	v7 =	vld [tilespmem:s30+$0x120];
	_ =	sdelay $0x1  }
0xc2: {  	v8 =	vld [tilespmem:s30+$0x130]  }
0xc3: {  	v5 =	vmul.f32 v5, v2;
	v6 =	vmul.f32 v6, v3;
	_ =	sdelay $0x1  }
0xc4: {  	v7 =	vmul.f32 v7, v4;
	v5 =	vadd.f32 v6, v5;
	_ =	sdelay $0x1  }
0xc5: {  	v6 =	vmul.f32 v8, v1;
	v5 =	vadd.f32 v7, v5;
	_ =	sdelay $0x1  }
0xc6: {  	v5 =	vadd.f32 v6, v5;
	_ =	sdelay $0x1  }
0xc7: {  	[tilespmem:s31+$0x40] =	vst v5  }
0xc8: {  	v5 =	vld [tilespmem:s30+$0x150]  }
0xc9: {  	v6 =	vld [tilespmem:s30+$0x140];
	_ =	sdelay $0x1  }
0xca: {  	v7 =	vld [tilespmem:s30+$0x160];
	_ =	sdelay $0x1  }
0xcb: {  	v8 =	vld [tilespmem:s30+$0x170]  }
0xcc: {  	v5 =	vmul.f32 v5, v3;
	v6 =	vmul.f32 v6, v2;
	_ =	sdelay $0x1  }
0xcd: {  	v7 =	vmul.f32 v7, v4;
	v5 =	vadd.f32 v5, v6;
	_ =	sdelay $0x1  }
0xce: {  	v6 =	vmul.f32 v8, v1;
	v5 =	vadd.f32 v7, v5;
	_ =	sdelay $0x1  }
0xcf: {  	v5 =	vadd.f32 v6, v5;
	_ =	sdelay $0x1  }
0xd0: {  	[tilespmem:s31+$0x50] =	vst v5  }
0xd1: {  	v5 =	vld [tilespmem:s30+$0x180]  }
0xd2: {  	v6 =	vld [tilespmem:s30+$0x190];
	_ =	sdelay $0x1  }
0xd3: {  	v7 =	vld [tilespmem:s30+$0x1A0];
	_ =	sdelay $0x1  }
0xd4: {  	v8 =	vld [tilespmem:s30+$0x1B0]  }
0xd5: {  	v5 =	vmul.f32 v5, v2;
	v6 =	vmul.f32 v6, v3;
	_ =	sdelay $0x1  }
0xd6: {  	v7 =	vmul.f32 v7, v4;
	v5 =	vadd.f32 v6, v5;
	_ =	sdelay $0x1  }
0xd7: {  	v6 =	vmul.f32 v8, v1;
	v5 =	vadd.f32 v7, v5;
	_ =	sdelay $0x1  }
0xd8: {  	v5 =	vadd.f32 v6, v5;
	_ =	sdelay $0x1  }
0xd9: {  	[tilespmem:s31+$0x60] =	vst v5  }
0xda: {  	v5 =	vld [tilespmem:s30+$0x1C0]  }
0xdb: {  	v6 =	vld [tilespmem:s30+$0x1D0];
	_ =	sdelay $0x1  }
0xdc: {  	v7 =	vld [tilespmem:s30+$0x1E0];
	_ =	sdelay $0x1  }
0xdd: {  	v8 =	vld [tilespmem:s30+$0x1F0]  }
0xde: {  	v5 =	vmul.f32 v5, v2;
	v6 =	vmul.f32 v6, v3;
	_ =	sdelay $0x1  }
0xdf: {  	v7 =	vmul.f32 v7, v4;
	v5 =	vadd.f32 v6, v5;
	_ =	sdelay $0x1  }
0xe0: {  	v6 =	vmul.f32 v8, v1;
	v5 =	vadd.f32 v7, v5;
	_ =	sdelay $0x1  }
0xe1: {  	v5 =	vadd.f32 v6, v5;
	_ =	sdelay $0x1  }
0xe2: {  	s0 =	smul.u32 $0x280, s0;
	[tilespmem:s31+$0x70] =	vst v5  }
0xe3: {  	s16 =	smul.u32 $0xA000, s29;
	v5 =	vld [tilespmem:s30+$0x200]  }
0xe4: {  	v7 =	vld [tilespmem:s30+$0x210]  }
0xe5: {  	s0 =	sadd.s32 s2, s0;
	s15 =	simm.s32 $0x100;
	s1 =	sshrl.u32 s16, $0x2;
	v6 =	vld [tilespmem:s30+$0x220]  }
0xe6: {  	s13 =	smov.u32 s30;
	s1 =	sadd.s32 $0x17A00, s1;
	s12 =	smov.u32 s31;
	v8 =	vld [tilespmem:s30+$0x230]  }
.LBB2_3:
0xe7: {  	_ = 	snop  }
0xe8: {  	p1 =	sne.s32 s15, $0x1F00;
	s30 =	sadd.s32 $0x500, s30;
	s31 =	sadd.s32 $0x140, s31  }
0xe9: {  	s16 =	smov.u32 s15;
	s15 =	sadd.s32 $0x100, s15;
	v5 =	vmul.f32 v5, v2;
	v7 =	vmul.f32 v7, v3  }
0xea: {  	v6 =	vmul.f32 v6, v4  }
0xeb: {  	v5 =	vadd.f32 v7, v5;
	v7 =	vmul.f32 v8, v1;
	_ =	sdelay $0x1  }
0xec: {  	v5 =	vadd.f32 v6, v5;
	_ =	sdelay $0x1  }
0xed: {  	v5 =	vadd.f32 v7, v5;
	_ =	sdelay $0x1  }
0xee: {  	[tilespmem:s12+$0x80] =	vst v5  }
0xef: {  	v5 =	vld [tilespmem:s13+$0x240]  }
0xf0: {  	v6 =	vld [tilespmem:s13+$0x250]  }
0xf1: {  	v7 =	vld [tilespmem:s13+$0x260]  }
0xf2: {  	v8 =	vld [tilespmem:s13+$0x270];
	s13 =	smov.u32 s30;
	_ =	sdelay $0x1  }
0xf3: {  	v2 =	vmul.f32 v5, v2  }
0xf4: {  	v3 =	vmul.f32 v6, v3  }
0xf5: {  	v4 =	vmul.f32 v7, v4  }
0xf6: {  	v2 =	vadd.f32 v3, v2;
	v1 =	vmul.f32 v8, v1;
	_ =	sdelay $0x1  }
0xf7: {  	v2 =	vadd.f32 v4, v2;
	_ =	sdelay $0x1  }
0xf8: {  	v1 =	vadd.f32 v1, v2  }
0xf9: {  	s16 =	sshra.s32 s16, $0x2  }
0xfa: {  	[tilespmem:s12+$0x90] =	vst v1;
	s12 =	smov.u32 s31  }
0xfb: {  	v5 =	vld [tilespmem:s30+$0xFFFFFDB0]  }
0xfc: {  	v1 =	vld.idx.msk [tilespmem:v0+s16+$0x30 ss:$0x1], $0xffff  }
0xfd: {  	v6 =	vld [tilespmem:s30+$0xFFFFFD80]  }
0xfe: {  	v2 =	vld.idx.msk [tilespmem:v0+s16+$0x0 ss:$0x1], $0xffff  }
0xff: {  	v3 =	vld.idx.msk [tilespmem:v0+s16+$0x10 ss:$0x1], $0xffff  }
0x100: {  	v7 =	vld [tilespmem:s30+$0xFFFFFD90]  }
0x101: {  	v4 =	vld.idx.msk [tilespmem:v0+s16+$0x20 ss:$0x1], $0xffff  }
0x102: {  	v8 =	vld [tilespmem:s30+$0xFFFFFDA0];
	_ =	sdelay $0x1  }
0x103: {  	v5 =	vmul.f32 v5, v1;
	v6 =	vmul.f32 v6, v2  }
0x104: {  	v7 =	vmul.f32 v7, v3;
	_ =	sdelay $0x1  }
0x105: {  	v6 =	vadd.f32 v7, v6;
	v7 =	vmul.f32 v8, v4;
	_ =	sdelay $0x1  }
0x106: {  	v6 =	vadd.f32 v7, v6;
	_ =	sdelay $0x1  }
0x107: {  	v5 =	vadd.f32 v5, v6;
	_ =	sdelay $0x1  }
0x108: {  	[tilespmem:s31+$0xFFFFFF60] =	vst v5  }
0x109: {  	v5 =	vld [tilespmem:s30+$0xFFFFFDC0]  }
0x10a: {  	v6 =	vld [tilespmem:s30+$0xFFFFFDD0];
	_ =	sdelay $0x1  }
0x10b: {  	v7 =	vld [tilespmem:s30+$0xFFFFFDE0];
	_ =	sdelay $0x1  }
0x10c: {  	v5 =	vmul.f32 v5, v2;
	v8 =	vld [tilespmem:s30+$0xFFFFFDF0]  }
0x10d: {  	v6 =	vmul.f32 v6, v3;
	_ =	sdelay $0x1  }
0x10e: {  	v5 =	vadd.f32 v6, v5;
	v6 =	vmul.f32 v7, v4;
	_ =	sdelay $0x1  }
0x10f: {  	v5 =	vadd.f32 v6, v5;
	v6 =	vmul.f32 v8, v1;
	_ =	sdelay $0x1  }
0x110: {  	v5 =	vadd.f32 v6, v5;
	_ =	sdelay $0x1  }
0x111: {  	[tilespmem:s31+$0xFFFFFF70] =	vst v5  }
0x112: {  	v5 =	vld [tilespmem:s30+$0xFFFFFE00]  }
0x113: {  	v6 =	vld [tilespmem:s30+$0xFFFFFE10];
	_ =	sdelay $0x1  }
0x114: {  	v7 =	vld [tilespmem:s30+$0xFFFFFE20];
	_ =	sdelay $0x1  }
0x115: {  	v5 =	vmul.f32 v5, v2;
	v8 =	vld [tilespmem:s30+$0xFFFFFE30]  }
0x116: {  	v6 =	vmul.f32 v6, v3;
	_ =	sdelay $0x1  }
0x117: {  	v5 =	vadd.f32 v6, v5;
	v6 =	vmul.f32 v7, v4;
	_ =	sdelay $0x1  }
0x118: {  	v5 =	vadd.f32 v6, v5;
	v6 =	vmul.f32 v8, v1;
	_ =	sdelay $0x1  }
0x119: {  	v5 =	vadd.f32 v6, v5;
	_ =	sdelay $0x1  }
0x11a: {  	[tilespmem:s31+$0xFFFFFF80] =	vst v5  }
0x11b: {  	v5 =	vld [tilespmem:s30+$0xFFFFFE40]  }
0x11c: {  	v6 =	vld [tilespmem:s30+$0xFFFFFE50]  }
0x11d: {  	v7 =	vld [tilespmem:s30+$0xFFFFFE60]  }
0x11e: {  	v8 =	vld [tilespmem:s30+$0xFFFFFE70];
	_ =	sdelay $0x1  }
0x11f: {  	v5 =	vmul.f32 v5, v2  }
0x120: {  	v6 =	vmul.f32 v6, v3  }
0x121: {  	v7 =	vmul.f32 v7, v4  }
0x122: {  	v5 =	vadd.f32 v6, v5;
	v6 =	vmul.f32 v8, v1;
	_ =	sdelay $0x1  }
0x123: {  	v5 =	vadd.f32 v7, v5;
	_ =	sdelay $0x1  }
0x124: {  	v5 =	vadd.f32 v6, v5;
	_ =	sdelay $0x1  }
0x125: {  	[tilespmem:s31+$0xFFFFFF90] =	vst v5  }
0x126: {  	v5 =	vld [tilespmem:s30+$0xFFFFFE90]  }
0x127: {  	v6 =	vld [tilespmem:s30+$0xFFFFFE80]  }
0x128: {  	v7 =	vld [tilespmem:s30+$0xFFFFFEA0]  }
0x129: {  	v8 =	vld [tilespmem:s30+$0xFFFFFEB0];
	_ =	sdelay $0x1  }
0x12a: {  	v5 =	vmul.f32 v5, v3  }
0x12b: {  	v6 =	vmul.f32 v6, v2  }
0x12c: {  	v7 =	vmul.f32 v7, v4  }
0x12d: {  	v5 =	vadd.f32 v5, v6;
	v6 =	vmul.f32 v8, v1;
	_ =	sdelay $0x1  }
0x12e: {  	v5 =	vadd.f32 v7, v5;
	_ =	sdelay $0x1  }
0x12f: {  	v5 =	vadd.f32 v6, v5;
	_ =	sdelay $0x1  }
0x130: {  	[tilespmem:s31+$0xFFFFFFA0] =	vst v5  }
0x131: {  	v5 =	vld [tilespmem:s30+$0xFFFFFEC0]  }
0x132: {  	v6 =	vld [tilespmem:s30+$0xFFFFFED0]  }
0x133: {  	v7 =	vld [tilespmem:s30+$0xFFFFFEE0];
	_ =	sdelay $0x2  }
0x134: {  	v5 =	vmul.f32 v5, v2;
	v8 =	vld [tilespmem:s30+$0xFFFFFEF0]  }
0x135: {  	v6 =	vmul.f32 v6, v3  }
0x136: {  	v7 =	vmul.f32 v7, v4  }
0x137: {  	v5 =	vadd.f32 v6, v5;
	_ =	sdelay $0x1  }
0x138: {  	v5 =	vadd.f32 v7, v5;
	v6 =	vmul.f32 v8, v1;
	_ =	sdelay $0x1  }
0x139: {  	v5 =	vadd.f32 v6, v5;
	_ =	sdelay $0x1  }
0x13a: {  	[tilespmem:s31+$0xFFFFFFB0] =	vst v5  }
0x13b: {  	v5 =	vld [tilespmem:s30+$0xFFFFFF00]  }
0x13c: {  	v6 =	vld [tilespmem:s30+$0xFFFFFF10]  }
0x13d: {  	v7 =	vld [tilespmem:s30+$0xFFFFFF20]  }
0x13e: {  	v8 =	vld [tilespmem:s30+$0xFFFFFF30];
	_ =	sdelay $0x1  }
0x13f: {  	v5 =	vmul.f32 v5, v2  }
0x140: {  	v6 =	vmul.f32 v6, v3  }
0x141: {  	v7 =	vmul.f32 v7, v4  }
0x142: {  	v5 =	vadd.f32 v6, v5;
	v6 =	vmul.f32 v8, v1;
	_ =	sdelay $0x1  }
0x143: {  	v5 =	vadd.f32 v7, v5;
	_ =	sdelay $0x1  }
0x144: {  	v5 =	vadd.f32 v6, v5;
	_ =	sdelay $0x1  }
0x145: {  	[tilespmem:s31+$0xFFFFFFC0] =	vst v5  }
0x146: {  	v5 =	vld [tilespmem:s30+$0xFFFFFF40]  }
0x147: {  	v6 =	vld [tilespmem:s30+$0xFFFFFF50]  }
0x148: {  	v7 =	vld [tilespmem:s30+$0xFFFFFF60]  }
0x149: {  	v8 =	vld [tilespmem:s30+$0xFFFFFF70];
	_ =	sdelay $0x1  }
0x14a: {  	v5 =	vmul.f32 v5, v2  }
0x14b: {  	v6 =	vmul.f32 v6, v3  }
0x14c: {  	v7 =	vmul.f32 v7, v4  }
0x14d: {  	v5 =	vadd.f32 v6, v5;
	v6 =	vmul.f32 v8, v1;
	_ =	sdelay $0x1  }
0x14e: {  	v5 =	vadd.f32 v7, v5;
	_ =	sdelay $0x1  }
0x14f: {  	v5 =	vadd.f32 v6, v5;
	_ =	sdelay $0x1  }
0x150: {  	[tilespmem:s31+$0xFFFFFFD0] =	vst v5  }
0x151: {  	v5 =	vld [tilespmem:s30+$0xFFFFFF80]  }
0x152: {  	v6 =	vld [tilespmem:s30+$0xFFFFFF90]  }
0x153: {  	v7 =	vld [tilespmem:s30+$0xFFFFFFA0]  }
0x154: {  	v8 =	vld [tilespmem:s30+$0xFFFFFFB0];
	_ =	sdelay $0x1  }
0x155: {  	v5 =	vmul.f32 v5, v2  }
0x156: {  	v6 =	vmul.f32 v6, v3  }
0x157: {  	v7 =	vmul.f32 v7, v4  }
0x158: {  	v5 =	vadd.f32 v6, v5;
	v6 =	vmul.f32 v8, v1;
	_ =	sdelay $0x1  }
0x159: {  	v5 =	vadd.f32 v7, v5;
	_ =	sdelay $0x1  }
0x15a: {  	v5 =	vadd.f32 v6, v5;
	_ =	sdelay $0x1  }
0x15b: {  	[tilespmem:s31+$0xFFFFFFE0] =	vst v5  }
0x15c: {  	v5 =	vld [tilespmem:s30+$0xFFFFFFC0]  }
0x15d: {  	v6 =	vld [tilespmem:s30+$0xFFFFFFD0]  }
0x15e: {  	v7 =	vld [tilespmem:s30+$0xFFFFFFE0]  }
0x15f: {  	v8 =	vld [tilespmem:s30+$0xFFFFFFF0];
	_ =	sdelay $0x1  }
0x160: {  	v5 =	vmul.f32 v5, v2  }
0x161: {  	v6 =	vmul.f32 v6, v3  }
0x162: {  	v7 =	vmul.f32 v7, v4  }
0x163: {  	v5 =	vadd.f32 v6, v5;
	v6 =	vmul.f32 v8, v1;
	_ =	sdelay $0x1  }
0x164: {  	v5 =	vadd.f32 v7, v5;
	_ =	sdelay $0x1  }
0x165: {  	v5 =	vadd.f32 v6, v5;
	_ =	sdelay $0x1  }
0x166: {  	[tilespmem:s31+$0xFFFFFFF0] =	vst v5  }
0x167: {  	v5 =	vld [tilespmem:s30+$0x0]  }
0x168: {  	v6 =	vld [tilespmem:s30+$0x10]  }
0x169: {  	v7 =	vld [tilespmem:s30+$0x20]  }
0x16a: {  	v8 =	vld [tilespmem:s30+$0x30];
	_ =	sdelay $0x1  }
0x16b: {  	v5 =	vmul.f32 v5, v2  }
0x16c: {  	v6 =	vmul.f32 v6, v3  }
0x16d: {  	v7 =	vmul.f32 v7, v4  }
0x16e: {  	v5 =	vadd.f32 v6, v5;
	v6 =	vmul.f32 v8, v1;
	_ =	sdelay $0x1  }
0x16f: {  	v5 =	vadd.f32 v7, v5;
	_ =	sdelay $0x1  }
0x170: {  	v5 =	vadd.f32 v6, v5;
	_ =	sdelay $0x1  }
0x171: {  	[tilespmem:s31+$0x0] =	vst v5  }
0x172: {  	v5 =	vld [tilespmem:s30+$0x40]  }
0x173: {  	v6 =	vld [tilespmem:s30+$0x50]  }
0x174: {  	v7 =	vld [tilespmem:s30+$0x60]  }
0x175: {  	v8 =	vld [tilespmem:s30+$0x70];
	_ =	sdelay $0x1  }
0x176: {  	v5 =	vmul.f32 v5, v2  }
0x177: {  	v6 =	vmul.f32 v6, v3  }
0x178: {  	v7 =	vmul.f32 v7, v4  }
0x179: {  	v5 =	vadd.f32 v6, v5;
	v6 =	vmul.f32 v8, v1;
	_ =	sdelay $0x1  }
0x17a: {  	v5 =	vadd.f32 v7, v5;
	_ =	sdelay $0x1  }
0x17b: {  	v5 =	vadd.f32 v6, v5;
	_ =	sdelay $0x1  }
0x17c: {  	[tilespmem:s31+$0x10] =	vst v5  }
0x17d: {  	v5 =	vld [tilespmem:s30+$0x80]  }
0x17e: {  	v6 =	vld [tilespmem:s30+$0x90]  }
0x17f: {  	v7 =	vld [tilespmem:s30+$0xA0]  }
0x180: {  	v8 =	vld [tilespmem:s30+$0xB0];
	_ =	sdelay $0x1  }
0x181: {  	v5 =	vmul.f32 v5, v2  }
0x182: {  	v6 =	vmul.f32 v6, v3  }
0x183: {  	v7 =	vmul.f32 v7, v4  }
0x184: {  	v5 =	vadd.f32 v6, v5;
	v6 =	vmul.f32 v8, v1;
	_ =	sdelay $0x1  }
0x185: {  	v5 =	vadd.f32 v7, v5;
	_ =	sdelay $0x1  }
0x186: {  	v5 =	vadd.f32 v6, v5;
	_ =	sdelay $0x1  }
0x187: {  	[tilespmem:s31+$0x20] =	vst v5  }
0x188: {  	v5 =	vld [tilespmem:s30+$0xC0]  }
0x189: {  	v6 =	vld [tilespmem:s30+$0xD0]  }
0x18a: {  	v7 =	vld [tilespmem:s30+$0xE0]  }
0x18b: {  	v8 =	vld [tilespmem:s30+$0xF0];
	_ =	sdelay $0x1  }
0x18c: {  	v5 =	vmul.f32 v5, v2  }
0x18d: {  	v6 =	vmul.f32 v6, v3  }
0x18e: {  	v7 =	vmul.f32 v7, v4  }
0x18f: {  	v5 =	vadd.f32 v6, v5;
	v6 =	vmul.f32 v8, v1;
	_ =	sdelay $0x1  }
0x190: {  	v5 =	vadd.f32 v7, v5;
	_ =	sdelay $0x1  }
0x191: {  	v5 =	vadd.f32 v6, v5;
	_ =	sdelay $0x1  }
0x192: {  	[tilespmem:s31+$0x30] =	vst v5  }
0x193: {  	v5 =	vld [tilespmem:s30+$0x100]  }
0x194: {  	v6 =	vld [tilespmem:s30+$0x110]  }
0x195: {  	v7 =	vld [tilespmem:s30+$0x120]  }
0x196: {  	v8 =	vld [tilespmem:s30+$0x130];
	_ =	sdelay $0x1  }
0x197: {  	v5 =	vmul.f32 v5, v2  }
0x198: {  	v6 =	vmul.f32 v6, v3  }
0x199: {  	v7 =	vmul.f32 v7, v4  }
0x19a: {  	v5 =	vadd.f32 v6, v5;
	v6 =	vmul.f32 v8, v1;
	_ =	sdelay $0x1  }
0x19b: {  	v5 =	vadd.f32 v7, v5;
	_ =	sdelay $0x1  }
0x19c: {  	v5 =	vadd.f32 v6, v5;
	_ =	sdelay $0x1  }
0x19d: {  	[tilespmem:s31+$0x40] =	vst v5  }
0x19e: {  	v5 =	vld [tilespmem:s30+$0x150]  }
0x19f: {  	v6 =	vld [tilespmem:s30+$0x140]  }
0x1a0: {  	v7 =	vld [tilespmem:s30+$0x160]  }
0x1a1: {  	v8 =	vld [tilespmem:s30+$0x170];
	_ =	sdelay $0x1  }
0x1a2: {  	v5 =	vmul.f32 v5, v3  }
0x1a3: {  	v6 =	vmul.f32 v6, v2  }
0x1a4: {  	v7 =	vmul.f32 v7, v4  }
0x1a5: {  	v5 =	vadd.f32 v5, v6;
	v6 =	vmul.f32 v8, v1;
	_ =	sdelay $0x1  }
0x1a6: {  	v5 =	vadd.f32 v7, v5;
	_ =	sdelay $0x1  }
0x1a7: {  	v5 =	vadd.f32 v6, v5;
	_ =	sdelay $0x1  }
0x1a8: {  	[tilespmem:s31+$0x50] =	vst v5  }
0x1a9: {  	v5 =	vld [tilespmem:s30+$0x180]  }
0x1aa: {  	v6 =	vld [tilespmem:s30+$0x190]  }
0x1ab: {  	v7 =	vld [tilespmem:s30+$0x1A0]  }
0x1ac: {  	v8 =	vld [tilespmem:s30+$0x1B0];
	_ =	sdelay $0x1  }
0x1ad: {  	v5 =	vmul.f32 v5, v2  }
0x1ae: {  	v6 =	vmul.f32 v6, v3  }
0x1af: {  	v7 =	vmul.f32 v7, v4  }
0x1b0: {  	v5 =	vadd.f32 v6, v5;
	v6 =	vmul.f32 v8, v1;
	_ =	sdelay $0x1  }
0x1b1: {  	v5 =	vadd.f32 v7, v5;
	_ =	sdelay $0x1  }
0x1b2: {  	v5 =	vadd.f32 v6, v5;
	_ =	sdelay $0x1  }
0x1b3: {  	[tilespmem:s31+$0x60] =	vst v5  }
0x1b4: {  	v5 =	vld [tilespmem:s30+$0x1C0]  }
0x1b5: {  	v6 =	vld [tilespmem:s30+$0x1D0]  }
0x1b6: {  	v7 =	vld [tilespmem:s30+$0x1E0]  }
0x1b7: {  	v8 =	vld [tilespmem:s30+$0x1F0];
	_ =	sdelay $0x1  }
0x1b8: {  	v5 =	vmul.f32 v5, v2  }
0x1b9: {  	v6 =	vmul.f32 v6, v3  }
0x1ba: {  	v7 =	vmul.f32 v7, v4  }
0x1bb: {  	v5 =	vadd.f32 v6, v5;
	v6 =	vmul.f32 v8, v1;
	_ =	sdelay $0x1  }
0x1bc: {  	v5 =	vadd.f32 v7, v5;
	_ =	sdelay $0x1  }
0x1bd: {  	v5 =	vadd.f32 v6, v5;
	_ =	sdelay $0x1  }
.Ltmp0:
0x1be: {  	[tilespmem:s31+$0x70] =	vst v5;
	(pc) =	sbr.rel @p1 .LBB2_3-.Ltmp0, $4  }
0x1bf: {  	v5 =	vld [tilespmem:s30+$0x200]  }
0x1c0: {  	v7 =	vld [tilespmem:s30+$0x210]  }
0x1c1: {  	v6 =	vld [tilespmem:s30+$0x220]  }
0x1c2: {  	v8 =	vld [tilespmem:s30+$0x230]  }
0x1c3: {  	_ =	sdelay $0x1  }
0x1c4: {  	v0 =	vmul.f32 v5, v2;
	v56 =	vmul.f32 v7, v3;
	_ =	sdelay $0x1  }
0x1c5: {  	v6 =	vmul.f32 v6, v4;
	v0 =	vadd.f32 v56, v0;
	_ =	sdelay $0x1  }
0x1c6: {  	v57 =	vmul.f32 v8, v1;
	v0 =	vadd.f32 v6, v0;
	_ =	sdelay $0x1  }
0x1c7: {  	v0 =	vadd.f32 v57, v0;
	_ =	sdelay $0x1  }
0x1c8: {  	[tilespmem:s12+$0x80] =	vst v0  }
0x1c9: {  	v0 =	vld [tilespmem:s13+$0x240]  }
0x1ca: {  	v58 =	vld [tilespmem:s13+$0x250];
	_ =	sdelay $0x1  }
0x1cb: {  	v59 =	vld [tilespmem:s13+$0x260];
	_ =	sdelay $0x1  }
0x1cc: {  	v60 =	vld [tilespmem:s13+$0x270]  }
0x1cd: {  	v0 =	vmul.f32 v0, v2;
	v61 =	vmul.f32 v58, v3;
	_ =	sdelay $0x1  }
0x1ce: {  	v62 =	vmul.f32 v59, v4;
	v0 =	vadd.f32 v61, v0;
	_ =	sdelay $0x1  }
0x1cf: {  	p1 =	sne.s32 s28, $0x10;
	v63 =	vmul.f32 v60, v1;
	v0 =	vadd.f32 v62, v0  }
.Ltmp1:
0x1d0: {  	_ = 	snop;
	(pc) =	sbr.rel @p1 .LBB2_2-.Ltmp1, $4  }
0x1d1: {  	v0 =	vadd.f32 v63, v0  }
0x1d2: {  	s0 =	sshll.u32 s0, $0x1  }
0x1d3: {  	s31 =	sadd.s32 $0x3, s29;
	p0 =	por !p0, !p0;
	s0 =	sadd.s32 s6, s0;
	[tilespmem:s12+$0x90] =	vst v0  }
0x1d4: {  	[hbm4b:s0+s3] =	stream.linear.scatter [tilespmem:s1], [sflag:s31], $0x2800, $0x38;
	[tilespmem:$0x1CA00] =	vst v63  }
0x1d5: {  	s26 =	sadd.s32 $0x1, s26  }
0x1d6: {  	_ =	swait.ge [sflag:s24], $0x2800;
	p0 =	sne.s32 s26, s9  }
.Ltmp2:
0x1d7: {  	[sflag:s24] =	ssyncset.done $0x0;
	(pc) =	sbr.rel @p0 .LBB2_1-.Ltmp2, $4  }
0x1d8: {  	[sflag:s24] =	ssyncadd.s32 $0xFFFFD800  }
0x1d9: {  	_ =	swait.ge [sflag:s25], $0x2800  }
0x1da: {  	[sflag:s25] =	ssyncset.done $0x0  }
0x1db: {  	[sflag:s25] =	ssyncadd.s32 $0xFFFFD800  }
0x1dc: {  	_ =	sfence.sel $0x180000  }
0x1dd: {  	[bflag:$0x0] =	sbarrier.arrive $0xFFFF  }
0x1de: {  	_ =	strace $0x90000047  }
0x1df: {  	s0 =	stileid.u32;
	[bflag:$0x2] =	sbarrier.arrive $0xFFFF  }
0x1e0: {  	p0 =	sne.s32 s0, $0x0;
	s0 =	rddreg [dreg:$0x2]  }
0x1e1: {  	s0 =	sadd.s32 @!p0 $0x100000, s0  }
0x1e2: {  	[sflag:s0] =	ssyncadd.tile.s32 @!p0 $0x1;
	_ =	shalt  }
.Lfunc_end2:
_tile_overlayer_lowered:
.L_overlay_start_2:
0x1e3: {  	(tag) =	ssettag $0x2  }
0x1e4: {  	s0 =	rddreg [dreg:$0x0];
	s2 =	stileid.u32  }
0x1e5: {  	s1 =	rddreg [dreg:$0x1];
	p0 =	sne.s32 s2, $0x0  }
0x1e6: {  	s3 =	rddreg [dreg:$0x2];
	[bflag:$0x3] =	sbarrier.arrive $0xFFFF;
	s2 =	simm.s32 @!p0 $0x1C05  }
0x1e7: {  	[timem:s3], [sflag:s2] =	dma.local @!p0 [hbm:s0], s1  }
0x1e8: {  	s0 =	simm.s32 @!p0 $0x5  }
0x1e9: {  	_ =	swait.ge @!p0 [sflag:s0], s1  }
0x1ea: {  	s1 =	ssub.s32 @!p0 $0x0, s1;
	[sflag:s0] =	ssyncset.done @!p0 $0x0  }
0x1eb: {  	[sflag:s0] =	ssyncadd.s32 @!p0 s1  }
0x1ec: {  	[bflag:$0x3] =	sbarrier.arrive $0xFFFF  }
0x1ed: {  	_ =	shalt  }

</sc_bundles>
